<compile_context>
chip_gen: v7x
topology: tpu7x:2x2x1
jax: 0.10.2.dev20260603
libtpu: 0.0.44.dev20260713+nightly
codegen_flags: <defaults>
</compile_context>

<pallas_src>
import functools

import jax
import jax.numpy as jnp
from jax import lax
from jax.experimental import pallas as pl
from jax.experimental.pallas import tpu as pltpu
from jax.experimental.pallas import tpu_sc as plsc

N_VOCAB = 1000000
D_MODEL = 64
BATCH = 4096
SEQ = 200

_NC = 2
_NS = 16
_NW = _NC * _NS

_B = BATCH * SEQ
_CH = 128
_BPW = _B // _NW
_NCHUNK = _BPW // _CH

_SLAB = 128
_KROWS = 3908
_K = _KROWS * _SLAB
_CFULL = 3903
_PITCH = 2 * D_MODEL + 1


@functools.partial(
    pl.kernel,
    out_type=jax.ShapeDtypeStruct((_K, 2 * D_MODEL), jnp.float32),
    mesh=plsc.VectorSubcoreMesh(core_axis_name="c", subcore_axis_name="s"),
    compiler_params=pltpu.CompilerParams(needs_layout_passes=False),
    scratch_types=[
        pltpu.VMEM((D_MODEL, _SLAB), jnp.float32),
        pltpu.VMEM((D_MODEL, _SLAB), jnp.float32),
        pltpu.VMEM((_SLAB, _PITCH), jnp.float32),
        pltpu.SemaphoreType.DMA,
    ],
)
def _sc_transpose(w_hbm, tab_hbm, in0_v, in1_v, buf_v, sem):
    wid = lax.axis_index("s") * _NC + lax.axis_index("c")
    nk = 122 + jnp.where(wid < _KROWS - 122 * _NW, 1, 0)
    iota = lax.iota(jnp.int32, 16)

    def chunk(k, _):
        c = wid + k * _NW
        s1 = jnp.minimum(c * _SLAB + _K, (N_VOCAB // _SLAB) * _SLAB)
        s1 = pl.multiple_of(s1, _SLAB)
        pltpu.async_copy(w_hbm.at[:, pl.ds(c * _SLAB, _SLAB)], in0_v,
                         sem).wait()
        pltpu.async_copy(w_hbm.at[:, pl.ds(s1, _SLAB)], in1_v, sem).wait()

        def row(d, dv):
            for g in range(_SLAB // 16):
                rows = g * 16 + iota
                plsc.store_scatter(buf_v, [rows, dv],
                                   in0_v[d, pl.ds(g * 16, 16)])
                plsc.store_scatter(buf_v, [rows, dv + D_MODEL],
                                   in1_v[d, pl.ds(g * 16, 16)])
            return dv + 1

        lax.fori_loop(0, D_MODEL, row, jnp.zeros((16,), jnp.int32))
        pltpu.sync_copy(buf_v.at[:, pl.ds(0, 2 * D_MODEL)],
                        tab_hbm.at[pl.ds(c * _SLAB, _SLAB)])
        return _

    lax.fori_loop(0, nk, chunk, None)


@functools.partial(
    pl.kernel,
    out_type=jax.ShapeDtypeStruct((_B, D_MODEL), jnp.float32),
    mesh=plsc.VectorSubcoreMesh(core_axis_name="c", subcore_axis_name="s"),
    compiler_params=pltpu.CompilerParams(use_tc_tiling_on_sc=False),
    scratch_types=[
        pltpu.VMEM((_NCHUNK, _CH), jnp.int32),
        pltpu.VMEM((_CH,), jnp.int32),
        pltpu.VMEM((_CH, D_MODEL), jnp.float32),
        pltpu.SemaphoreType.DMA,
    ],
)
def _sc_gather(table_hbm, idx_hbm, out_hbm, idx_v, ridx_v, out_v, sem):
    wid = lax.axis_index("s") * _NC + lax.axis_index("c")
    base = wid * _BPW
    pltpu.sync_copy(idx_hbm.at[wid], idx_v)

    def chunk(c, _):
        for g in range(_CH // 16):
            xv = idx_v[c, pl.ds(g * 16, 16)]
            hi = xv >= _K
            ridx_v[pl.ds(g * 16, 16)] = jnp.where(
                hi, 2 * (xv - _K) + 1, 2 * xv)
        pltpu.async_copy(table_hbm.at[ridx_v], out_v, sem).wait()
        pltpu.sync_copy(out_v, out_hbm.at[pl.ds(base + c * _CH, _CH)])
        return _

    lax.fori_loop(0, _NCHUNK, chunk, None)


def kernel(x, W_embed):
    table = _sc_transpose(W_embed).reshape(2 * _K, D_MODEL)
    idx = x.astype(jnp.int32).reshape(_NW, _NCHUNK, _CH)
    out = _sc_gather(table, idx)
    return out.reshape(BATCH, SEQ, D_MODEL)

# --- scband reference (transcript-rebuilt; emitter-appended) ---
"""Pipeline reference for scband-embed-64123861729871 (READ-ONLY COPY).

The authoritative reference and input builder live on the scoring server;
editing this copy changes nothing except your own understanding.
"""

import jax, jax.numpy as jnp
import numpy as np

N_VOCAB = 1000000
D_MODEL = 64
BATCH = 4096
SEQ = 200

def setup_inputs(seed: int = 0) -> dict:
    key = jax.random.key(seed)
    k1, k2 = jax.random.split(key)
    x = jax.random.randint(k1, (BATCH, SEQ), 0, N_VOCAB, dtype=jnp.int64 if jax.config.jax_enable_x64 else jnp.int32)
    W_embed = jax.random.normal(k2, (D_MODEL, N_VOCAB), dtype=jnp.float32) / np.sqrt(D_MODEL)
    return {"x": x, "W_embed": W_embed}

def reference(x, W_embed):
    # torch: t.einsum('dbp -> bpd', self.W_embed[:, x])
    # W_embed[:, x] has shape [d, b, p]; permute to [b, p, d]
    gathered = jnp.take(W_embed, x, axis=1)  # [d, b, p]
    return jnp.transpose(gathered, (1, 2, 0))  # [b, p, d]

if __name__ == "__main__":
    import jax
    _d = setup_inputs()
    print(jax.jit(kernel)(*tuple(_d.values())))

</pallas_src>

<mosaic_0001>
#map = affine_map<(d0, d1) -> (0, 0)>
module attributes {stable_mosaic.version = 14 : i64} {
  func.func @_sc_transpose(%arg0: i32, %arg1: i32, %arg2: memref<64x1000000xf32, #tpu.memory_space<hbm>>, %arg3: memref<500224x128xf32, #tpu.memory_space<hbm>>, %arg4: memref<64x128xf32, #tpu.memory_space<vmem>>, %arg5: memref<64x128xf32, #tpu.memory_space<vmem>>, %arg6: memref<128x129xf32, #tpu.memory_space<vmem>>, %arg7: memref<!tpu.dma_semaphore, #tpu.memory_space<semaphore_mem>>) attributes {dimension_semantics = [#tpu.dimension_semantics<core_parallel>, #tpu.dimension_semantics<subcore_parallel>], iteration_bounds = array<i64: 2, 16>, scalar_prefetch = 0 : i64, scratch_operands = 4 : i64, tpu.core_type = #tpu.core_type<sc_vector_subcore>, window_params = [{transform_indices = #map}, {transform_indices = #map}]} {
    %mul3A = arith.constant 2 : i32
    %mul3A_0 = arith.muli %arg1, %mul3A : i32
    %add3A = arith.addi %mul3A_0, %arg0 : i32
    %lt3A = arith.constant 4 : i32
    %lt3A_1 = arith.cmpi slt, %add3A, %lt3A : i32
    %jit3A = arith.constant 1 : i32
    %jit3A_2 = arith.constant 0 : i32
    %select_n3A = arith.select %lt3A_1, %jit3A, %jit3A_2 : i32
    %add3A_3 = arith.constant 122 : i32
    %add3A_4 = arith.addi %add3A_3, %select_n3A : i32
    %iota3A = tpu.iota {dimensions = array<i32: 0>} : vector<16xi32>
    %while3A = arith.constant 0 : i32
    %while3A_5 = arith.subi %add3A_4, %while3A : i32
    %while3A_6 = arith.addi %while3A, %while3A_5 : i32
    %while3A_7 = arith.constant 1 : i32
    %while3A_8 = arith.divsi %while3A_5, %while3A_7 : i32
    %while3A_9 = arith.muli %while3A_8, %while3A_7 : i32
    %while3A_10 = arith.addi %while3A, %while3A_9 : i32
    %while3A_11 = arith.constant 1 : i32
    scf.for %while3A_13 = %while3A to %while3A_10 step %while3A_11  : i32 {
      %mul3A_14 = arith.constant 32 : i32
      %mul3A_15 = arith.muli %while3A_13, %mul3A_14 : i32
      %add3A_16 = arith.addi %add3A, %mul3A_15 : i32
      %mul3A_17 = arith.constant 128 : i32
      %mul3A_18 = arith.muli %add3A_16, %mul3A_17 : i32
      %add3A_19 = arith.constant 500224 : i32
      %add3A_20 = arith.addi %mul3A_18, %add3A_19 : i32
      %min3A = arith.constant 999936 : i32
      %min3A_21 = arith.minsi %add3A_20, %min3A : i32
      %multiple_of3A = tpu.assume_multiple %min3A_21, 128 : i32
      %mul3A_22 = arith.constant 128 : i32
      %mul3A_23 = arith.muli %add3A_16, %mul3A_22 : i32
      %dma_start3A = arith.constant 0 : i32
      %dma_start3A_24 = tpu.memref_slice %arg2[%dma_start3A, %mul3A_23] : memref<64x1000000xf32, #tpu.memory_space<hbm>> -> memref<64x128xf32, #tpu.memory_space<hbm>>
      %dma_start3A_25 = arith.constant 0 : i32
      %dma_start3A_26 = tpu.memref_slice %arg2[%dma_start3A_25, %mul3A_23] : memref<64x1000000xf32, #tpu.memory_space<hbm>> -> memref<64x128xf32, #tpu.memory_space<hbm>>
      tpu.enqueue_dma source(%dma_start3A_26 : memref<64x128xf32, #tpu.memory_space<hbm>>) target(%arg4 : memref<64x128xf32, #tpu.memory_space<vmem>>) target_semaphore(%arg7 : memref<!tpu.dma_semaphore, #tpu.memory_space<semaphore_mem>>)
      %dma_wait3A = arith.constant 0 : i32
      %dma_wait3A_27 = tpu.memref_slice %arg2[%dma_wait3A, %mul3A_23] : memref<64x1000000xf32, #tpu.memory_space<hbm>> -> memref<64x128xf32, #tpu.memory_space<hbm>>
      %dma_wait3A_28 = arith.constant 0 : i32
      %dma_wait3A_29 = tpu.memref_slice %arg2[%dma_wait3A_28, %mul3A_23] : memref<64x1000000xf32, #tpu.memory_space<hbm>> -> memref<64x128xf32, #tpu.memory_space<hbm>>
      tpu.wait_dma2 semaphore(%arg7 : memref<!tpu.dma_semaphore, #tpu.memory_space<semaphore_mem>>) src(%dma_wait3A_29 : memref<64x128xf32, #tpu.memory_space<hbm>>) dst(%arg4 : memref<64x128xf32, #tpu.memory_space<vmem>>)
      %dma_start3A_30 = arith.constant 0 : i32
      %dma_start3A_31 = tpu.memref_slice %arg2[%dma_start3A_30, %multiple_of3A] : memref<64x1000000xf32, #tpu.memory_space<hbm>> -> memref<64x128xf32, #tpu.memory_space<hbm>>
      %dma_start3A_32 = arith.constant 0 : i32
      %dma_start3A_33 = tpu.memref_slice %arg2[%dma_start3A_32, %multiple_of3A] : memref<64x1000000xf32, #tpu.memory_space<hbm>> -> memref<64x128xf32, #tpu.memory_space<hbm>>
      tpu.enqueue_dma source(%dma_start3A_33 : memref<64x128xf32, #tpu.memory_space<hbm>>) target(%arg5 : memref<64x128xf32, #tpu.memory_space<vmem>>) target_semaphore(%arg7 : memref<!tpu.dma_semaphore, #tpu.memory_space<semaphore_mem>>)
      %dma_wait3A_34 = arith.constant 0 : i32
      %dma_wait3A_35 = tpu.memref_slice %arg2[%dma_wait3A_34, %multiple_of3A] : memref<64x1000000xf32, #tpu.memory_space<hbm>> -> memref<64x128xf32, #tpu.memory_space<hbm>>
      %dma_wait3A_36 = arith.constant 0 : i32
      %dma_wait3A_37 = tpu.memref_slice %arg2[%dma_wait3A_36, %multiple_of3A] : memref<64x1000000xf32, #tpu.memory_space<hbm>> -> memref<64x128xf32, #tpu.memory_space<hbm>>
      tpu.wait_dma2 semaphore(%arg7 : memref<!tpu.dma_semaphore, #tpu.memory_space<semaphore_mem>>) src(%dma_wait3A_37 : memref<64x128xf32, #tpu.memory_space<hbm>>) dst(%arg5 : memref<64x128xf32, #tpu.memory_space<vmem>>)
      %broadcast_in_dim3A = arith.constant 0 : i32
      %broadcast_in_dim3A_38 = vector.broadcast %broadcast_in_dim3A : i32 to vector<16xi32>
      %scan3A = arith.constant 0 : i32
      %scan3A_39 = arith.constant 64 : i32
      %scan3A_40 = arith.addi %scan3A, %scan3A_39 : i32
      %scan3A_41 = arith.constant 1 : i32
      %scan3A_42 = scf.for %scan3A_46 = %scan3A to %scan3A_40 step %scan3A_41 iter_args(%scan3A_47 = %broadcast_in_dim3A_38) -> (vector<16xi32>)  : i32 {
        %add3A_48 = arith.constant 0 : i32
        %add3A_49 = vector.broadcast %add3A_48 : i32 to vector<16xi32>
        %add3A_50 = arith.addi %add3A_49, %iota3A : vector<16xi32>
        %get3A = arith.index_cast %scan3A_46 : i32 to index
        %get3A_51 = arith.constant 0 : index
        %get3A_52 = tpu.vector_load %arg4[%get3A, %get3A_51] {strides = array<i32>} : memref<64x128xf32, #tpu.memory_space<vmem>>, vector<16xf32>,
        tpu.vector_store_idx %arg6[%add3A_50, %scan3A_47], %get3A_52 : memref<128x129xf32, #tpu.memory_space<vmem>>[vector<16xi32>, vector<16xi32>], vector<16xf32>,
        %add3A_53 = arith.constant 64 : i32
        %add3A_54 = vector.broadcast %add3A_53 : i32 to vector<16xi32>
        %add3A_55 = arith.addi %scan3A_47, %add3A_54 : vector<16xi32>
        %get3A_56 = arith.index_cast %scan3A_46 : i32 to index
        %get3A_57 = arith.constant 0 : index
        %get3A_58 = tpu.vector_load %arg5[%get3A_56, %get3A_57] {strides = array<i32>} : memref<64x128xf32, #tpu.memory_space<vmem>>, vector<16xf32>,
        tpu.vector_store_idx %arg6[%add3A_50, %add3A_55], %get3A_58 : memref<128x129xf32, #tpu.memory_space<vmem>>[vector<16xi32>, vector<16xi32>], vector<16xf32>,
        %add3A_59 = arith.constant 16 : i32
        %add3A_60 = vector.broadcast %add3A_59 : i32 to vector<16xi32>
        %add3A_61 = arith.addi %add3A_60, %iota3A : vector<16xi32>
        %get3A_62 = arith.index_cast %scan3A_46 : i32 to index
        %get3A_63 = arith.constant 16 : index
        %get3A_64 = tpu.vector_load %arg4[%get3A_62, %get3A_63] {strides = array<i32>} : memref<64x128xf32, #tpu.memory_space<vmem>>, vector<16xf32>,
        tpu.vector_store_idx %arg6[%add3A_61, %scan3A_47], %get3A_64 : memref<128x129xf32, #tpu.memory_space<vmem>>[vector<16xi32>, vector<16xi32>], vector<16xf32>,
        %add3A_65 = arith.constant 64 : i32
        %add3A_66 = vector.broadcast %add3A_65 : i32 to vector<16xi32>
        %add3A_67 = arith.addi %scan3A_47, %add3A_66 : vector<16xi32>
        %get3A_68 = arith.index_cast %scan3A_46 : i32 to index
        %get3A_69 = arith.constant 16 : index
        %get3A_70 = tpu.vector_load %arg5[%get3A_68, %get3A_69] {strides = array<i32>} : memref<64x128xf32, #tpu.memory_space<vmem>>, vector<16xf32>,
        tpu.vector_store_idx %arg6[%add3A_61, %add3A_67], %get3A_70 : memref<128x129xf32, #tpu.memory_space<vmem>>[vector<16xi32>, vector<16xi32>], vector<16xf32>,
        %add3A_71 = arith.constant 32 : i32
        %add3A_72 = vector.broadcast %add3A_71 : i32 to vector<16xi32>
        %add3A_73 = arith.addi %add3A_72, %iota3A : vector<16xi32>
        %get3A_74 = arith.index_cast %scan3A_46 : i32 to index
        %get3A_75 = arith.constant 32 : index
        %get3A_76 = tpu.vector_load %arg4[%get3A_74, %get3A_75] {strides = array<i32>} : memref<64x128xf32, #tpu.memory_space<vmem>>, vector<16xf32>,
        tpu.vector_store_idx %arg6[%add3A_73, %scan3A_47], %get3A_76 : memref<128x129xf32, #tpu.memory_space<vmem>>[vector<16xi32>, vector<16xi32>], vector<16xf32>,
        %add3A_77 = arith.constant 64 : i32
        %add3A_78 = vector.broadcast %add3A_77 : i32 to vector<16xi32>
        %add3A_79 = arith.addi %scan3A_47, %add3A_78 : vector<16xi32>
        %get3A_80 = arith.index_cast %scan3A_46 : i32 to index
        %get3A_81 = arith.constant 32 : index
        %get3A_82 = tpu.vector_load %arg5[%get3A_80, %get3A_81] {strides = array<i32>} : memref<64x128xf32, #tpu.memory_space<vmem>>, vector<16xf32>,
        tpu.vector_store_idx %arg6[%add3A_73, %add3A_79], %get3A_82 : memref<128x129xf32, #tpu.memory_space<vmem>>[vector<16xi32>, vector<16xi32>], vector<16xf32>,
        %add3A_83 = arith.constant 48 : i32
        %add3A_84 = vector.broadcast %add3A_83 : i32 to vector<16xi32>
        %add3A_85 = arith.addi %add3A_84, %iota3A : vector<16xi32>
        %get3A_86 = arith.index_cast %scan3A_46 : i32 to index
        %get3A_87 = arith.constant 48 : index
        %get3A_88 = tpu.vector_load %arg4[%get3A_86, %get3A_87] {strides = array<i32>} : memref<64x128xf32, #tpu.memory_space<vmem>>, vector<16xf32>,
        tpu.vector_store_idx %arg6[%add3A_85, %scan3A_47], %get3A_88 : memref<128x129xf32, #tpu.memory_space<vmem>>[vector<16xi32>, vector<16xi32>], vector<16xf32>,
        %add3A_89 = arith.constant 64 : i32
        %add3A_90 = vector.broadcast %add3A_89 : i32 to vector<16xi32>
        %add3A_91 = arith.addi %scan3A_47, %add3A_90 : vector<16xi32>
        %get3A_92 = arith.index_cast %scan3A_46 : i32 to index
        %get3A_93 = arith.constant 48 : index
        %get3A_94 = tpu.vector_load %arg5[%get3A_92, %get3A_93] {strides = array<i32>} : memref<64x128xf32, #tpu.memory_space<vmem>>, vector<16xf32>,
        tpu.vector_store_idx %arg6[%add3A_85, %add3A_91], %get3A_94 : memref<128x129xf32, #tpu.memory_space<vmem>>[vector<16xi32>, vector<16xi32>], vector<16xf32>,
        %add3A_95 = arith.constant 64 : i32
        %add3A_96 = vector.broadcast %add3A_95 : i32 to vector<16xi32>
        %add3A_97 = arith.addi %add3A_96, %iota3A : vector<16xi32>
        %get3A_98 = arith.index_cast %scan3A_46 : i32 to index
        %get3A_99 = arith.constant 64 : index
        %get3A_100 = tpu.vector_load %arg4[%get3A_98, %get3A_99] {strides = array<i32>} : memref<64x128xf32, #tpu.memory_space<vmem>>, vector<16xf32>,
        tpu.vector_store_idx %arg6[%add3A_97, %scan3A_47], %get3A_100 : memref<128x129xf32, #tpu.memory_space<vmem>>[vector<16xi32>, vector<16xi32>], vector<16xf32>,
        %add3A_101 = arith.constant 64 : i32
        %add3A_102 = vector.broadcast %add3A_101 : i32 to vector<16xi32>
        %add3A_103 = arith.addi %scan3A_47, %add3A_102 : vector<16xi32>
        %get3A_104 = arith.index_cast %scan3A_46 : i32 to index
        %get3A_105 = arith.constant 64 : index
        %get3A_106 = tpu.vector_load %arg5[%get3A_104, %get3A_105] {strides = array<i32>} : memref<64x128xf32, #tpu.memory_space<vmem>>, vector<16xf32>,
        tpu.vector_store_idx %arg6[%add3A_97, %add3A_103], %get3A_106 : memref<128x129xf32, #tpu.memory_space<vmem>>[vector<16xi32>, vector<16xi32>], vector<16xf32>,
        %add3A_107 = arith.constant 80 : i32
        %add3A_108 = vector.broadcast %add3A_107 : i32 to vector<16xi32>
        %add3A_109 = arith.addi %add3A_108, %iota3A : vector<16xi32>
        %get3A_110 = arith.index_cast %scan3A_46 : i32 to index
        %get3A_111 = arith.constant 80 : index
        %get3A_112 = tpu.vector_load %arg4[%get3A_110, %get3A_111] {strides = array<i32>} : memref<64x128xf32, #tpu.memory_space<vmem>>, vector<16xf32>,
        tpu.vector_store_idx %arg6[%add3A_109, %scan3A_47], %get3A_112 : memref<128x129xf32, #tpu.memory_space<vmem>>[vector<16xi32>, vector<16xi32>], vector<16xf32>,
        %add3A_113 = arith.constant 64 : i32
        %add3A_114 = vector.broadcast %add3A_113 : i32 to vector<16xi32>
        %add3A_115 = arith.addi %scan3A_47, %add3A_114 : vector<16xi32>
        %get3A_116 = arith.index_cast %scan3A_46 : i32 to index
        %get3A_117 = arith.constant 80 : index
        %get3A_118 = tpu.vector_load %arg5[%get3A_116, %get3A_117] {strides = array<i32>} : memref<64x128xf32, #tpu.memory_space<vmem>>, vector<16xf32>,
        tpu.vector_store_idx %arg6[%add3A_109, %add3A_115], %get3A_118 : memref<128x129xf32, #tpu.memory_space<vmem>>[vector<16xi32>, vector<16xi32>], vector<16xf32>,
        %add3A_119 = arith.constant 96 : i32
        %add3A_120 = vector.broadcast %add3A_119 : i32 to vector<16xi32>
        %add3A_121 = arith.addi %add3A_120, %iota3A : vector<16xi32>
        %get3A_122 = arith.index_cast %scan3A_46 : i32 to index
        %get3A_123 = arith.constant 96 : index
        %get3A_124 = tpu.vector_load %arg4[%get3A_122, %get3A_123] {strides = array<i32>} : memref<64x128xf32, #tpu.memory_space<vmem>>, vector<16xf32>,
        tpu.vector_store_idx %arg6[%add3A_121, %scan3A_47], %get3A_124 : memref<128x129xf32, #tpu.memory_space<vmem>>[vector<16xi32>, vector<16xi32>], vector<16xf32>,
        %add3A_125 = arith.constant 64 : i32
        %add3A_126 = vector.broadcast %add3A_125 : i32 to vector<16xi32>
        %add3A_127 = arith.addi %scan3A_47, %add3A_126 : vector<16xi32>
        %get3A_128 = arith.index_cast %scan3A_46 : i32 to index
        %get3A_129 = arith.constant 96 : index
        %get3A_130 = tpu.vector_load %arg5[%get3A_128, %get3A_129] {strides = array<i32>} : memref<64x128xf32, #tpu.memory_space<vmem>>, vector<16xf32>,
        tpu.vector_store_idx %arg6[%add3A_121, %add3A_127], %get3A_130 : memref<128x129xf32, #tpu.memory_space<vmem>>[vector<16xi32>, vector<16xi32>], vector<16xf32>,
        %add3A_131 = arith.constant 112 : i32
        %add3A_132 = vector.broadcast %add3A_131 : i32 to vector<16xi32>
        %add3A_133 = arith.addi %add3A_132, %iota3A : vector<16xi32>
        %get3A_134 = arith.index_cast %scan3A_46 : i32 to index
        %get3A_135 = arith.constant 112 : index
        %get3A_136 = tpu.vector_load %arg4[%get3A_134, %get3A_135] {strides = array<i32>} : memref<64x128xf32, #tpu.memory_space<vmem>>, vector<16xf32>,
        tpu.vector_store_idx %arg6[%add3A_133, %scan3A_47], %get3A_136 : memref<128x129xf32, #tpu.memory_space<vmem>>[vector<16xi32>, vector<16xi32>], vector<16xf32>,
        %add3A_137 = arith.constant 64 : i32
        %add3A_138 = vector.broadcast %add3A_137 : i32 to vector<16xi32>
        %add3A_139 = arith.addi %scan3A_47, %add3A_138 : vector<16xi32>
        %get3A_140 = arith.index_cast %scan3A_46 : i32 to index
        %get3A_141 = arith.constant 112 : index
        %get3A_142 = tpu.vector_load %arg5[%get3A_140, %get3A_141] {strides = array<i32>} : memref<64x128xf32, #tpu.memory_space<vmem>>, vector<16xf32>,
        tpu.vector_store_idx %arg6[%add3A_133, %add3A_139], %get3A_142 : memref<128x129xf32, #tpu.memory_space<vmem>>[vector<16xi32>, vector<16xi32>], vector<16xf32>,
        %add3A_143 = arith.constant 1 : i32
        %add3A_144 = vector.broadcast %add3A_143 : i32 to vector<16xi32>
        %add3A_145 = arith.addi %scan3A_47, %add3A_144 : vector<16xi32>
        scf.yield %add3A_145 : vector<16xi32>
      }
      %scan3A_43 = arith.constant 64 : i32
      %mul3A_44 = arith.constant 128 : i32
      %mul3A_45 = arith.muli %add3A_16, %mul3A_44 : i32
      "tpu.region"() ({
        %run_scoped3A = tpu.sem_alloc : memref<!tpu.dma_semaphore, #tpu.memory_space<semaphore_mem>>
        %dma_start3A_46 = arith.constant 0 : i32
        %dma_start3A_47 = arith.constant 0 : i32
        %dma_start3A_48 = tpu.memref_slice %arg6[%dma_start3A_46, %dma_start3A_47] : memref<128x129xf32, #tpu.memory_space<vmem>> -> memref<128x128xf32, #tpu.memory_space<vmem>>
        %dma_start3A_49 = arith.constant 0 : i32
        %dma_start3A_50 = tpu.memref_slice %arg3[%mul3A_45, %dma_start3A_49] : memref<500224x128xf32, #tpu.memory_space<hbm>> -> memref<128x128xf32, #tpu.memory_space<hbm>>
        %dma_start3A_51 = arith.constant 0 : i32
        %dma_start3A_52 = tpu.memref_slice %arg3[%mul3A_45, %dma_start3A_51] : memref<500224x128xf32, #tpu.memory_space<hbm>> -> memref<128x128xf32, #tpu.memory_space<hbm>>
        %dma_start3A_53 = arith.constant 0 : i32
        %dma_start3A_54 = arith.constant 0 : i32
        %dma_start3A_55 = tpu.memref_slice %arg6[%dma_start3A_53, %dma_start3A_54] : memref<128x129xf32, #tpu.memory_space<vmem>> -> memref<128x128xf32, #tpu.memory_space<vmem>>
        tpu.enqueue_dma source(%dma_start3A_55 : memref<128x128xf32, #tpu.memory_space<vmem>>) target(%dma_start3A_52 : memref<128x128xf32, #tpu.memory_space<hbm>>) target_semaphore(%run_scoped3A : memref<!tpu.dma_semaphore, #tpu.memory_space<semaphore_mem>>)
        %dma_wait3A_56 = arith.constant 0 : i32
        %dma_wait3A_57 = arith.constant 0 : i32
        %dma_wait3A_58 = tpu.memref_slice %arg6[%dma_wait3A_56, %dma_wait3A_57] : memref<128x129xf32, #tpu.memory_space<vmem>> -> memref<128x128xf32, #tpu.memory_space<vmem>>
        %dma_wait3A_59 = arith.constant 0 : i32
        %dma_wait3A_60 = tpu.memref_slice %arg3[%mul3A_45, %dma_wait3A_59] : memref<500224x128xf32, #tpu.memory_space<hbm>> -> memref<128x128xf32, #tpu.memory_space<hbm>>
        %dma_wait3A_61 = arith.constant 0 : i32
        %dma_wait3A_62 = tpu.memref_slice %arg3[%mul3A_45, %dma_wait3A_61] : memref<500224x128xf32, #tpu.memory_space<hbm>> -> memref<128x128xf32, #tpu.memory_space<hbm>>
        %dma_wait3A_63 = arith.constant 0 : i32
        %dma_wait3A_64 = arith.constant 0 : i32
        %dma_wait3A_65 = tpu.memref_slice %arg6[%dma_wait3A_63, %dma_wait3A_64] : memref<128x129xf32, #tpu.memory_space<vmem>> -> memref<128x128xf32, #tpu.memory_space<vmem>>
        tpu.wait_dma2 semaphore(%run_scoped3A : memref<!tpu.dma_semaphore, #tpu.memory_space<semaphore_mem>>) src(%dma_wait3A_65 : memref<128x128xf32, #tpu.memory_space<vmem>>) dst(%dma_wait3A_62 : memref<128x128xf32, #tpu.memory_space<hbm>>)
        tpu.yield
      }) : () -> ()
    }
    %while3A_12 = arith.constant 1 : i32
    scf.for %while3A_13 = %while3A_10 to %while3A_6 step %while3A_12  : i32 {
      %mul3A_14 = arith.constant 32 : i32
      %mul3A_15 = arith.muli %while3A_13, %mul3A_14 : i32
      %add3A_16 = arith.addi %add3A, %mul3A_15 : i32
      %mul3A_17 = arith.constant 128 : i32
      %mul3A_18 = arith.muli %add3A_16, %mul3A_17 : i32
      %add3A_19 = arith.constant 500224 : i32
      %add3A_20 = arith.addi %mul3A_18, %add3A_19 : i32
      %min3A = arith.constant 999936 : i32
      %min3A_21 = arith.minsi %add3A_20, %min3A : i32
      %multiple_of3A = tpu.assume_multiple %min3A_21, 128 : i32
      %mul3A_22 = arith.constant 128 : i32
      %mul3A_23 = arith.muli %add3A_16, %mul3A_22 : i32
      %dma_start3A = arith.constant 0 : i32
      %dma_start3A_24 = tpu.memref_slice %arg2[%dma_start3A, %mul3A_23] : memref<64x1000000xf32, #tpu.memory_space<hbm>> -> memref<64x128xf32, #tpu.memory_space<hbm>>
      %dma_start3A_25 = arith.constant 0 : i32
      %dma_start3A_26 = tpu.memref_slice %arg2[%dma_start3A_25, %mul3A_23] : memref<64x1000000xf32, #tpu.memory_space<hbm>> -> memref<64x128xf32, #tpu.memory_space<hbm>>
      tpu.enqueue_dma source(%dma_start3A_26 : memref<64x128xf32, #tpu.memory_space<hbm>>) target(%arg4 : memref<64x128xf32, #tpu.memory_space<vmem>>) target_semaphore(%arg7 : memref<!tpu.dma_semaphore, #tpu.memory_space<semaphore_mem>>)
      %dma_wait3A = arith.constant 0 : i32
      %dma_wait3A_27 = tpu.memref_slice %arg2[%dma_wait3A, %mul3A_23] : memref<64x1000000xf32, #tpu.memory_space<hbm>> -> memref<64x128xf32, #tpu.memory_space<hbm>>
      %dma_wait3A_28 = arith.constant 0 : i32
      %dma_wait3A_29 = tpu.memref_slice %arg2[%dma_wait3A_28, %mul3A_23] : memref<64x1000000xf32, #tpu.memory_space<hbm>> -> memref<64x128xf32, #tpu.memory_space<hbm>>
      tpu.wait_dma2 semaphore(%arg7 : memref<!tpu.dma_semaphore, #tpu.memory_space<semaphore_mem>>) src(%dma_wait3A_29 : memref<64x128xf32, #tpu.memory_space<hbm>>) dst(%arg4 : memref<64x128xf32, #tpu.memory_space<vmem>>)
      %dma_start3A_30 = arith.constant 0 : i32
      %dma_start3A_31 = tpu.memref_slice %arg2[%dma_start3A_30, %multiple_of3A] : memref<64x1000000xf32, #tpu.memory_space<hbm>> -> memref<64x128xf32, #tpu.memory_space<hbm>>
      %dma_start3A_32 = arith.constant 0 : i32
      %dma_start3A_33 = tpu.memref_slice %arg2[%dma_start3A_32, %multiple_of3A] : memref<64x1000000xf32, #tpu.memory_space<hbm>> -> memref<64x128xf32, #tpu.memory_space<hbm>>
      tpu.enqueue_dma source(%dma_start3A_33 : memref<64x128xf32, #tpu.memory_space<hbm>>) target(%arg5 : memref<64x128xf32, #tpu.memory_space<vmem>>) target_semaphore(%arg7 : memref<!tpu.dma_semaphore, #tpu.memory_space<semaphore_mem>>)
      %dma_wait3A_34 = arith.constant 0 : i32
      %dma_wait3A_35 = tpu.memref_slice %arg2[%dma_wait3A_34, %multiple_of3A] : memref<64x1000000xf32, #tpu.memory_space<hbm>> -> memref<64x128xf32, #tpu.memory_space<hbm>>
      %dma_wait3A_36 = arith.constant 0 : i32
      %dma_wait3A_37 = tpu.memref_slice %arg2[%dma_wait3A_36, %multiple_of3A] : memref<64x1000000xf32, #tpu.memory_space<hbm>> -> memref<64x128xf32, #tpu.memory_space<hbm>>
      tpu.wait_dma2 semaphore(%arg7 : memref<!tpu.dma_semaphore, #tpu.memory_space<semaphore_mem>>) src(%dma_wait3A_37 : memref<64x128xf32, #tpu.memory_space<hbm>>) dst(%arg5 : memref<64x128xf32, #tpu.memory_space<vmem>>)
      %broadcast_in_dim3A = arith.constant 0 : i32
      %broadcast_in_dim3A_38 = vector.broadcast %broadcast_in_dim3A : i32 to vector<16xi32>
      %scan3A = arith.constant 0 : i32
      %scan3A_39 = arith.constant 64 : i32
      %scan3A_40 = arith.addi %scan3A, %scan3A_39 : i32
      %scan3A_41 = arith.constant 1 : i32
      %scan3A_42 = scf.for %scan3A_46 = %scan3A to %scan3A_40 step %scan3A_41 iter_args(%scan3A_47 = %broadcast_in_dim3A_38) -> (vector<16xi32>)  : i32 {
        %add3A_48 = arith.constant 0 : i32
        %add3A_49 = vector.broadcast %add3A_48 : i32 to vector<16xi32>
        %add3A_50 = arith.addi %add3A_49, %iota3A : vector<16xi32>
        %get3A = arith.index_cast %scan3A_46 : i32 to index
        %get3A_51 = arith.constant 0 : index
        %get3A_52 = tpu.vector_load %arg4[%get3A, %get3A_51] {strides = array<i32>} : memref<64x128xf32, #tpu.memory_space<vmem>>, vector<16xf32>,
        tpu.vector_store_idx %arg6[%add3A_50, %scan3A_47], %get3A_52 : memref<128x129xf32, #tpu.memory_space<vmem>>[vector<16xi32>, vector<16xi32>], vector<16xf32>,
        %add3A_53 = arith.constant 64 : i32
        %add3A_54 = vector.broadcast %add3A_53 : i32 to vector<16xi32>
        %add3A_55 = arith.addi %scan3A_47, %add3A_54 : vector<16xi32>
        %get3A_56 = arith.index_cast %scan3A_46 : i32 to index
        %get3A_57 = arith.constant 0 : index
        %get3A_58 = tpu.vector_load %arg5[%get3A_56, %get3A_57] {strides = array<i32>} : memref<64x128xf32, #tpu.memory_space<vmem>>, vector<16xf32>,
        tpu.vector_store_idx %arg6[%add3A_50, %add3A_55], %get3A_58 : memref<128x129xf32, #tpu.memory_space<vmem>>[vector<16xi32>, vector<16xi32>], vector<16xf32>,
        %add3A_59 = arith.constant 16 : i32
        %add3A_60 = vector.broadcast %add3A_59 : i32 to vector<16xi32>
        %add3A_61 = arith.addi %add3A_60, %iota3A : vector<16xi32>
        %get3A_62 = arith.index_cast %scan3A_46 : i32 to index
        %get3A_63 = arith.constant 16 : index
        %get3A_64 = tpu.vector_load %arg4[%get3A_62, %get3A_63] {strides = array<i32>} : memref<64x128xf32, #tpu.memory_space<vmem>>, vector<16xf32>,
        tpu.vector_store_idx %arg6[%add3A_61, %scan3A_47], %get3A_64 : memref<128x129xf32, #tpu.memory_space<vmem>>[vector<16xi32>, vector<16xi32>], vector<16xf32>,
        %add3A_65 = arith.constant 64 : i32
        %add3A_66 = vector.broadcast %add3A_65 : i32 to vector<16xi32>
        %add3A_67 = arith.addi %scan3A_47, %add3A_66 : vector<16xi32>
        %get3A_68 = arith.index_cast %scan3A_46 : i32 to index
        %get3A_69 = arith.constant 16 : index
        %get3A_70 = tpu.vector_load %arg5[%get3A_68, %get3A_69] {strides = array<i32>} : memref<64x128xf32, #tpu.memory_space<vmem>>, vector<16xf32>,
        tpu.vector_store_idx %arg6[%add3A_61, %add3A_67], %get3A_70 : memref<128x129xf32, #tpu.memory_space<vmem>>[vector<16xi32>, vector<16xi32>], vector<16xf32>,
        %add3A_71 = arith.constant 32 : i32
        %add3A_72 = vector.broadcast %add3A_71 : i32 to vector<16xi32>
        %add3A_73 = arith.addi %add3A_72, %iota3A : vector<16xi32>
        %get3A_74 = arith.index_cast %scan3A_46 : i32 to index
        %get3A_75 = arith.constant 32 : index
        %get3A_76 = tpu.vector_load %arg4[%get3A_74, %get3A_75] {strides = array<i32>} : memref<64x128xf32, #tpu.memory_space<vmem>>, vector<16xf32>,
        tpu.vector_store_idx %arg6[%add3A_73, %scan3A_47], %get3A_76 : memref<128x129xf32, #tpu.memory_space<vmem>>[vector<16xi32>, vector<16xi32>], vector<16xf32>,
        %add3A_77 = arith.constant 64 : i32
        %add3A_78 = vector.broadcast %add3A_77 : i32 to vector<16xi32>
        %add3A_79 = arith.addi %scan3A_47, %add3A_78 : vector<16xi32>
        %get3A_80 = arith.index_cast %scan3A_46 : i32 to index
        %get3A_81 = arith.constant 32 : index
        %get3A_82 = tpu.vector_load %arg5[%get3A_80, %get3A_81] {strides = array<i32>} : memref<64x128xf32, #tpu.memory_space<vmem>>, vector<16xf32>,
        tpu.vector_store_idx %arg6[%add3A_73, %add3A_79], %get3A_82 : memref<128x129xf32, #tpu.memory_space<vmem>>[vector<16xi32>, vector<16xi32>], vector<16xf32>,
        %add3A_83 = arith.constant 48 : i32
        %add3A_84 = vector.broadcast %add3A_83 : i32 to vector<16xi32>
        %add3A_85 = arith.addi %add3A_84, %iota3A : vector<16xi32>
        %get3A_86 = arith.index_cast %scan3A_46 : i32 to index
        %get3A_87 = arith.constant 48 : index
        %get3A_88 = tpu.vector_load %arg4[%get3A_86, %get3A_87] {strides = array<i32>} : memref<64x128xf32, #tpu.memory_space<vmem>>, vector<16xf32>,
        tpu.vector_store_idx %arg6[%add3A_85, %scan3A_47], %get3A_88 : memref<128x129xf32, #tpu.memory_space<vmem>>[vector<16xi32>, vector<16xi32>], vector<16xf32>,
        %add3A_89 = arith.constant 64 : i32
        %add3A_90 = vector.broadcast %add3A_89 : i32 to vector<16xi32>
        %add3A_91 = arith.addi %scan3A_47, %add3A_90 : vector<16xi32>
        %get3A_92 = arith.index_cast %scan3A_46 : i32 to index
        %get3A_93 = arith.constant 48 : index
        %get3A_94 = tpu.vector_load %arg5[%get3A_92, %get3A_93] {strides = array<i32>} : memref<64x128xf32, #tpu.memory_space<vmem>>, vector<16xf32>,
        tpu.vector_store_idx %arg6[%add3A_85, %add3A_91], %get3A_94 : memref<128x129xf32, #tpu.memory_space<vmem>>[vector<16xi32>, vector<16xi32>], vector<16xf32>,
        %add3A_95 = arith.constant 64 : i32
        %add3A_96 = vector.broadcast %add3A_95 : i32 to vector<16xi32>
        %add3A_97 = arith.addi %add3A_96, %iota3A : vector<16xi32>
        %get3A_98 = arith.index_cast %scan3A_46 : i32 to index
        %get3A_99 = arith.constant 64 : index
        %get3A_100 = tpu.vector_load %arg4[%get3A_98, %get3A_99] {strides = array<i32>} : memref<64x128xf32, #tpu.memory_space<vmem>>, vector<16xf32>,
        tpu.vector_store_idx %arg6[%add3A_97, %scan3A_47], %get3A_100 : memref<128x129xf32, #tpu.memory_space<vmem>>[vector<16xi32>, vector<16xi32>], vector<16xf32>,
        %add3A_101 = arith.constant 64 : i32
        %add3A_102 = vector.broadcast %add3A_101 : i32 to vector<16xi32>
        %add3A_103 = arith.addi %scan3A_47, %add3A_102 : vector<16xi32>
        %get3A_104 = arith.index_cast %scan3A_46 : i32 to index
        %get3A_105 = arith.constant 64 : index
        %get3A_106 = tpu.vector_load %arg5[%get3A_104, %get3A_105] {strides = array<i32>} : memref<64x128xf32, #tpu.memory_space<vmem>>, vector<16xf32>,
        tpu.vector_store_idx %arg6[%add3A_97, %add3A_103], %get3A_106 : memref<128x129xf32, #tpu.memory_space<vmem>>[vector<16xi32>, vector<16xi32>], vector<16xf32>,
        %add3A_107 = arith.constant 80 : i32
        %add3A_108 = vector.broadcast %add3A_107 : i32 to vector<16xi32>
        %add3A_109 = arith.addi %add3A_108, %iota3A : vector<16xi32>
        %get3A_110 = arith.index_cast %scan3A_46 : i32 to index
        %get3A_111 = arith.constant 80 : index
        %get3A_112 = tpu.vector_load %arg4[%get3A_110, %get3A_111] {strides = array<i32>} : memref<64x128xf32, #tpu.memory_space<vmem>>, vector<16xf32>,
        tpu.vector_store_idx %arg6[%add3A_109, %scan3A_47], %get3A_112 : memref<128x129xf32, #tpu.memory_space<vmem>>[vector<16xi32>, vector<16xi32>], vector<16xf32>,
        %add3A_113 = arith.constant 64 : i32
        %add3A_114 = vector.broadcast %add3A_113 : i32 to vector<16xi32>
        %add3A_115 = arith.addi %scan3A_47, %add3A_114 : vector<16xi32>
        %get3A_116 = arith.index_cast %scan3A_46 : i32 to index
        %get3A_117 = arith.constant 80 : index
        %get3A_118 = tpu.vector_load %arg5[%get3A_116, %get3A_117] {strides = array<i32>} : memref<64x128xf32, #tpu.memory_space<vmem>>, vector<16xf32>,
        tpu.vector_store_idx %arg6[%add3A_109, %add3A_115], %get3A_118 : memref<128x129xf32, #tpu.memory_space<vmem>>[vector<16xi32>, vector<16xi32>], vector<16xf32>,
        %add3A_119 = arith.constant 96 : i32
        %add3A_120 = vector.broadcast %add3A_119 : i32 to vector<16xi32>
        %add3A_121 = arith.addi %add3A_120, %iota3A : vector<16xi32>
        %get3A_122 = arith.index_cast %scan3A_46 : i32 to index
        %get3A_123 = arith.constant 96 : index
        %get3A_124 = tpu.vector_load %arg4[%get3A_122, %get3A_123] {strides = array<i32>} : memref<64x128xf32, #tpu.memory_space<vmem>>, vector<16xf32>,
        tpu.vector_store_idx %arg6[%add3A_121, %scan3A_47], %get3A_124 : memref<128x129xf32, #tpu.memory_space<vmem>>[vector<16xi32>, vector<16xi32>], vector<16xf32>,
        %add3A_125 = arith.constant 64 : i32
        %add3A_126 = vector.broadcast %add3A_125 : i32 to vector<16xi32>
        %add3A_127 = arith.addi %scan3A_47, %add3A_126 : vector<16xi32>
        %get3A_128 = arith.index_cast %scan3A_46 : i32 to index
        %get3A_129 = arith.constant 96 : index
        %get3A_130 = tpu.vector_load %arg5[%get3A_128, %get3A_129] {strides = array<i32>} : memref<64x128xf32, #tpu.memory_space<vmem>>, vector<16xf32>,
        tpu.vector_store_idx %arg6[%add3A_121, %add3A_127], %get3A_130 : memref<128x129xf32, #tpu.memory_space<vmem>>[vector<16xi32>, vector<16xi32>], vector<16xf32>,
        %add3A_131 = arith.constant 112 : i32
        %add3A_132 = vector.broadcast %add3A_131 : i32 to vector<16xi32>
        %add3A_133 = arith.addi %add3A_132, %iota3A : vector<16xi32>
        %get3A_134 = arith.index_cast %scan3A_46 : i32 to index
        %get3A_135 = arith.constant 112 : index
        %get3A_136 = tpu.vector_load %arg4[%get3A_134, %get3A_135] {strides = array<i32>} : memref<64x128xf32, #tpu.memory_space<vmem>>, vector<16xf32>,
        tpu.vector_store_idx %arg6[%add3A_133, %scan3A_47], %get3A_136 : memref<128x129xf32, #tpu.memory_space<vmem>>[vector<16xi32>, vector<16xi32>], vector<16xf32>,
        %add3A_137 = arith.constant 64 : i32
        %add3A_138 = vector.broadcast %add3A_137 : i32 to vector<16xi32>
        %add3A_139 = arith.addi %scan3A_47, %add3A_138 : vector<16xi32>
        %get3A_140 = arith.index_cast %scan3A_46 : i32 to index
        %get3A_141 = arith.constant 112 : index
        %get3A_142 = tpu.vector_load %arg5[%get3A_140, %get3A_141] {strides = array<i32>} : memref<64x128xf32, #tpu.memory_space<vmem>>, vector<16xf32>,
        tpu.vector_store_idx %arg6[%add3A_133, %add3A_139], %get3A_142 : memref<128x129xf32, #tpu.memory_space<vmem>>[vector<16xi32>, vector<16xi32>], vector<16xf32>,
        %add3A_143 = arith.constant 1 : i32
        %add3A_144 = vector.broadcast %add3A_143 : i32 to vector<16xi32>
        %add3A_145 = arith.addi %scan3A_47, %add3A_144 : vector<16xi32>
        scf.yield %add3A_145 : vector<16xi32>
      }
      %scan3A_43 = arith.constant 64 : i32
      %mul3A_44 = arith.constant 128 : i32
      %mul3A_45 = arith.muli %add3A_16, %mul3A_44 : i32
      "tpu.region"() ({
        %run_scoped3A = tpu.sem_alloc : memref<!tpu.dma_semaphore, #tpu.memory_space<semaphore_mem>>
        %dma_start3A_46 = arith.constant 0 : i32
        %dma_start3A_47 = arith.constant 0 : i32
        %dma_start3A_48 = tpu.memref_slice %arg6[%dma_start3A_46, %dma_start3A_47] : memref<128x129xf32, #tpu.memory_space<vmem>> -> memref<128x128xf32, #tpu.memory_space<vmem>>
        %dma_start3A_49 = arith.constant 0 : i32
        %dma_start3A_50 = tpu.memref_slice %arg3[%mul3A_45, %dma_start3A_49] : memref<500224x128xf32, #tpu.memory_space<hbm>> -> memref<128x128xf32, #tpu.memory_space<hbm>>
        %dma_start3A_51 = arith.constant 0 : i32
        %dma_start3A_52 = tpu.memref_slice %arg3[%mul3A_45, %dma_start3A_51] : memref<500224x128xf32, #tpu.memory_space<hbm>> -> memref<128x128xf32, #tpu.memory_space<hbm>>
        %dma_start3A_53 = arith.constant 0 : i32
        %dma_start3A_54 = arith.constant 0 : i32
        %dma_start3A_55 = tpu.memref_slice %arg6[%dma_start3A_53, %dma_start3A_54] : memref<128x129xf32, #tpu.memory_space<vmem>> -> memref<128x128xf32, #tpu.memory_space<vmem>>
        tpu.enqueue_dma source(%dma_start3A_55 : memref<128x128xf32, #tpu.memory_space<vmem>>) target(%dma_start3A_52 : memref<128x128xf32, #tpu.memory_space<hbm>>) target_semaphore(%run_scoped3A : memref<!tpu.dma_semaphore, #tpu.memory_space<semaphore_mem>>)
        %dma_wait3A_56 = arith.constant 0 : i32
        %dma_wait3A_57 = arith.constant 0 : i32
        %dma_wait3A_58 = tpu.memref_slice %arg6[%dma_wait3A_56, %dma_wait3A_57] : memref<128x129xf32, #tpu.memory_space<vmem>> -> memref<128x128xf32, #tpu.memory_space<vmem>>
        %dma_wait3A_59 = arith.constant 0 : i32
        %dma_wait3A_60 = tpu.memref_slice %arg3[%mul3A_45, %dma_wait3A_59] : memref<500224x128xf32, #tpu.memory_space<hbm>> -> memref<128x128xf32, #tpu.memory_space<hbm>>
        %dma_wait3A_61 = arith.constant 0 : i32
        %dma_wait3A_62 = tpu.memref_slice %arg3[%mul3A_45, %dma_wait3A_61] : memref<500224x128xf32, #tpu.memory_space<hbm>> -> memref<128x128xf32, #tpu.memory_space<hbm>>
        %dma_wait3A_63 = arith.constant 0 : i32
        %dma_wait3A_64 = arith.constant 0 : i32
        %dma_wait3A_65 = tpu.memref_slice %arg6[%dma_wait3A_63, %dma_wait3A_64] : memref<128x129xf32, #tpu.memory_space<vmem>> -> memref<128x128xf32, #tpu.memory_space<vmem>>
        tpu.wait_dma2 semaphore(%run_scoped3A : memref<!tpu.dma_semaphore, #tpu.memory_space<semaphore_mem>>) src(%dma_wait3A_65 : memref<128x128xf32, #tpu.memory_space<vmem>>) dst(%dma_wait3A_62 : memref<128x128xf32, #tpu.memory_space<hbm>>)
        tpu.yield
      }) : () -> ()
    }
    return
  }
}

#map = affine_map<(d0, d1) -> (0, 0)>
#map1 = affine_map<(d0, d1) -> (0, 0, 0)>
module attributes {stable_mosaic.version = 14 : i64} {
  func.func @_sc_gather(%arg0: i32, %arg1: i32, %arg2: memref<1000448x64xf32, #tpu.memory_space<hbm>>, %arg3: memref<32x200x128xi32, #tpu.memory_space<hbm>>, %arg4: memref<819200x64xf32, #tpu.memory_space<hbm>>, %arg5: memref<200x128xi32, #tpu.memory_space<vmem>>, %arg6: memref<128xi32, #tpu.memory_space<vmem>>, %arg7: memref<128x64xf32, #tpu.memory_space<vmem>>, %arg8: memref<!tpu.dma_semaphore, #tpu.memory_space<semaphore_mem>>) attributes {dimension_semantics = [#tpu.dimension_semantics<core_parallel>, #tpu.dimension_semantics<subcore_parallel>], iteration_bounds = array<i64: 2, 16>, scalar_prefetch = 0 : i64, scratch_operands = 4 : i64, tpu.core_type = #tpu.core_type<sc_vector_subcore>, window_params = [{transform_indices = #map}, {transform_indices = #map1}, {transform_indices = #map}]} {
    %mul3A = arith.constant 2 : i32
    %mul3A_0 = arith.muli %arg1, %mul3A : i32
    %add3A = arith.addi %mul3A_0, %arg0 : i32
    %mul3A_1 = arith.constant 25600 : i32
    %mul3A_2 = arith.muli %add3A, %mul3A_1 : i32
    "tpu.region"() ({
      %run_scoped3A = tpu.sem_alloc : memref<!tpu.dma_semaphore, #tpu.memory_space<semaphore_mem>>
      %dma_start3A = arith.constant 0 : i32
      %dma_start3A_7 = arith.constant 0 : i32
      %dma_start3A_8 = tpu.memref_slice %arg3[%add3A, %dma_start3A, %dma_start3A_7] : memref<32x200x128xi32, #tpu.memory_space<hbm>> -> memref<1x200x128xi32, #tpu.memory_space<hbm>>
      %dma_start3A_9 = tpu.memref_squeeze %dma_start3A_8 : memref<1x200x128xi32, #tpu.memory_space<hbm>> -> memref<200x128xi32, #tpu.memory_space<hbm>>
      %dma_start3A_10 = arith.constant 0 : i32
      %dma_start3A_11 = arith.constant 0 : i32
      %dma_start3A_12 = tpu.memref_slice %arg3[%add3A, %dma_start3A_10, %dma_start3A_11] : memref<32x200x128xi32, #tpu.memory_space<hbm>> -> memref<1x200x128xi32, #tpu.memory_space<hbm>>
      %dma_start3A_13 = tpu.memref_squeeze %dma_start3A_12 : memref<1x200x128xi32, #tpu.memory_space<hbm>> -> memref<200x128xi32, #tpu.memory_space<hbm>>
      tpu.enqueue_dma source(%dma_start3A_13 : memref<200x128xi32, #tpu.memory_space<hbm>>) target(%arg5 : memref<200x128xi32, #tpu.memory_space<vmem>>) target_semaphore(%run_scoped3A : memref<!tpu.dma_semaphore, #tpu.memory_space<semaphore_mem>>)
      %dma_wait3A = arith.constant 0 : i32
      %dma_wait3A_14 = arith.constant 0 : i32
      %dma_wait3A_15 = tpu.memref_slice %arg3[%add3A, %dma_wait3A, %dma_wait3A_14] : memref<32x200x128xi32, #tpu.memory_space<hbm>> -> memref<1x200x128xi32, #tpu.memory_space<hbm>>
      %dma_wait3A_16 = tpu.memref_squeeze %dma_wait3A_15 : memref<1x200x128xi32, #tpu.memory_space<hbm>> -> memref<200x128xi32, #tpu.memory_space<hbm>>
      %dma_wait3A_17 = arith.constant 0 : i32
      %dma_wait3A_18 = arith.constant 0 : i32
      %dma_wait3A_19 = tpu.memref_slice %arg3[%add3A, %dma_wait3A_17, %dma_wait3A_18] : memref<32x200x128xi32, #tpu.memory_space<hbm>> -> memref<1x200x128xi32, #tpu.memory_space<hbm>>
      %dma_wait3A_20 = tpu.memref_squeeze %dma_wait3A_19 : memref<1x200x128xi32, #tpu.memory_space<hbm>> -> memref<200x128xi32, #tpu.memory_space<hbm>>
      tpu.wait_dma2 semaphore(%run_scoped3A : memref<!tpu.dma_semaphore, #tpu.memory_space<semaphore_mem>>) src(%dma_wait3A_20 : memref<200x128xi32, #tpu.memory_space<hbm>>) dst(%arg5 : memref<200x128xi32, #tpu.memory_space<vmem>>)
      tpu.yield
    }) : () -> ()
    %scan3A = arith.constant 0 : i32
    %scan3A_3 = arith.constant 200 : i32
    %scan3A_4 = arith.addi %scan3A, %scan3A_3 : i32
    %scan3A_5 = arith.constant 1 : i32
    scf.for %scan3A_7 = %scan3A to %scan3A_4 step %scan3A_5  : i32 {
      %get3A = arith.index_cast %scan3A_7 : i32 to index
      %get3A_8 = arith.constant 0 : index
      %get3A_9 = tpu.vector_load %arg5[%get3A, %get3A_8] {strides = array<i32>} : memref<200x128xi32, #tpu.memory_space<vmem>>, vector<1x16xi32>,
      %get3A_10 = vector.shape_cast %get3A_9 : vector<1x16xi32> to vector<16xi32>
      %ge3A = arith.constant 500224 : i32
      %ge3A_11 = vector.broadcast %ge3A : i32 to vector<16xi32>
      %ge3A_12 = arith.cmpi sge, %get3A_10, %ge3A_11 : vector<16xi32>
      %sub3A = arith.constant 500224 : i32
      %sub3A_13 = vector.broadcast %sub3A : i32 to vector<16xi32>
      %sub3A_14 = arith.subi %get3A_10, %sub3A_13 : vector<16xi32>
      %mul3A_15 = arith.constant 2 : i32
      %mul3A_16 = vector.broadcast %mul3A_15 : i32 to vector<16xi32>
      %mul3A_17 = arith.muli %mul3A_16, %sub3A_14 : vector<16xi32>
      %add3A_18 = arith.constant 1 : i32
      %add3A_19 = vector.broadcast %add3A_18 : i32 to vector<16xi32>
      %add3A_20 = arith.addi %mul3A_17, %add3A_19 : vector<16xi32>
      %mul3A_21 = arith.constant 2 : i32
      %mul3A_22 = vector.broadcast %mul3A_21 : i32 to vector<16xi32>
      %mul3A_23 = arith.muli %mul3A_22, %get3A_10 : vector<16xi32>
      %select_n3A = arith.select %ge3A_12, %add3A_20, %mul3A_23 : vector<16xi1>, vector<16xi32>
      %swap3A = arith.constant 0 : index
      %swap3A_24 = tpu.vector_load %arg6[%swap3A] {strides = array<i32>} : memref<128xi32, #tpu.memory_space<vmem>>, vector<16xi32>,
      %swap3A_25 = vector.shape_cast %swap3A_24 : vector<16xi32> to vector<16xi32>
      %swap3A_26 = vector.shape_cast %select_n3A : vector<16xi32> to vector<16xi32>
      tpu.vector_store %arg6[%swap3A], %swap3A_26 {strides = array<i32>} : memref<128xi32, #tpu.memory_space<vmem>>, vector<16xi32>,
      %get3A_27 = arith.index_cast %scan3A_7 : i32 to index
      %get3A_28 = arith.constant 16 : index
      %get3A_29 = tpu.vector_load %arg5[%get3A_27, %get3A_28] {strides = array<i32>} : memref<200x128xi32, #tpu.memory_space<vmem>>, vector<1x16xi32>,
      %get3A_30 = vector.shape_cast %get3A_29 : vector<1x16xi32> to vector<16xi32>
      %ge3A_31 = arith.constant 500224 : i32
      %ge3A_32 = vector.broadcast %ge3A_31 : i32 to vector<16xi32>
      %ge3A_33 = arith.cmpi sge, %get3A_30, %ge3A_32 : vector<16xi32>
      %sub3A_34 = arith.constant 500224 : i32
      %sub3A_35 = vector.broadcast %sub3A_34 : i32 to vector<16xi32>
      %sub3A_36 = arith.subi %get3A_30, %sub3A_35 : vector<16xi32>
      %mul3A_37 = arith.constant 2 : i32
      %mul3A_38 = vector.broadcast %mul3A_37 : i32 to vector<16xi32>
      %mul3A_39 = arith.muli %mul3A_38, %sub3A_36 : vector<16xi32>
      %add3A_40 = arith.constant 1 : i32
      %add3A_41 = vector.broadcast %add3A_40 : i32 to vector<16xi32>
      %add3A_42 = arith.addi %mul3A_39, %add3A_41 : vector<16xi32>
      %mul3A_43 = arith.constant 2 : i32
      %mul3A_44 = vector.broadcast %mul3A_43 : i32 to vector<16xi32>
      %mul3A_45 = arith.muli %mul3A_44, %get3A_30 : vector<16xi32>
      %select_n3A_46 = arith.select %ge3A_33, %add3A_42, %mul3A_45 : vector<16xi1>, vector<16xi32>
      %swap3A_47 = arith.constant 16 : index
      %swap3A_48 = tpu.vector_load %arg6[%swap3A_47] {strides = array<i32>} : memref<128xi32, #tpu.memory_space<vmem>>, vector<16xi32>,
      %swap3A_49 = vector.shape_cast %swap3A_48 : vector<16xi32> to vector<16xi32>
      %swap3A_50 = vector.shape_cast %select_n3A_46 : vector<16xi32> to vector<16xi32>
      tpu.vector_store %arg6[%swap3A_47], %swap3A_50 {strides = array<i32>} : memref<128xi32, #tpu.memory_space<vmem>>, vector<16xi32>,
      %get3A_51 = arith.index_cast %scan3A_7 : i32 to index
      %get3A_52 = arith.constant 32 : index
      %get3A_53 = tpu.vector_load %arg5[%get3A_51, %get3A_52] {strides = array<i32>} : memref<200x128xi32, #tpu.memory_space<vmem>>, vector<1x16xi32>,
      %get3A_54 = vector.shape_cast %get3A_53 : vector<1x16xi32> to vector<16xi32>
      %ge3A_55 = arith.constant 500224 : i32
      %ge3A_56 = vector.broadcast %ge3A_55 : i32 to vector<16xi32>
      %ge3A_57 = arith.cmpi sge, %get3A_54, %ge3A_56 : vector<16xi32>
      %sub3A_58 = arith.constant 500224 : i32
      %sub3A_59 = vector.broadcast %sub3A_58 : i32 to vector<16xi32>
      %sub3A_60 = arith.subi %get3A_54, %sub3A_59 : vector<16xi32>
      %mul3A_61 = arith.constant 2 : i32
      %mul3A_62 = vector.broadcast %mul3A_61 : i32 to vector<16xi32>
      %mul3A_63 = arith.muli %mul3A_62, %sub3A_60 : vector<16xi32>
      %add3A_64 = arith.constant 1 : i32
      %add3A_65 = vector.broadcast %add3A_64 : i32 to vector<16xi32>
      %add3A_66 = arith.addi %mul3A_63, %add3A_65 : vector<16xi32>
      %mul3A_67 = arith.constant 2 : i32
      %mul3A_68 = vector.broadcast %mul3A_67 : i32 to vector<16xi32>
      %mul3A_69 = arith.muli %mul3A_68, %get3A_54 : vector<16xi32>
      %select_n3A_70 = arith.select %ge3A_57, %add3A_66, %mul3A_69 : vector<16xi1>, vector<16xi32>
      %swap3A_71 = arith.constant 32 : index
      %swap3A_72 = tpu.vector_load %arg6[%swap3A_71] {strides = array<i32>} : memref<128xi32, #tpu.memory_space<vmem>>, vector<16xi32>,
      %swap3A_73 = vector.shape_cast %swap3A_72 : vector<16xi32> to vector<16xi32>
      %swap3A_74 = vector.shape_cast %select_n3A_70 : vector<16xi32> to vector<16xi32>
      tpu.vector_store %arg6[%swap3A_71], %swap3A_74 {strides = array<i32>} : memref<128xi32, #tpu.memory_space<vmem>>, vector<16xi32>,
      %get3A_75 = arith.index_cast %scan3A_7 : i32 to index
      %get3A_76 = arith.constant 48 : index
      %get3A_77 = tpu.vector_load %arg5[%get3A_75, %get3A_76] {strides = array<i32>} : memref<200x128xi32, #tpu.memory_space<vmem>>, vector<1x16xi32>,
      %get3A_78 = vector.shape_cast %get3A_77 : vector<1x16xi32> to vector<16xi32>
      %ge3A_79 = arith.constant 500224 : i32
      %ge3A_80 = vector.broadcast %ge3A_79 : i32 to vector<16xi32>
      %ge3A_81 = arith.cmpi sge, %get3A_78, %ge3A_80 : vector<16xi32>
      %sub3A_82 = arith.constant 500224 : i32
      %sub3A_83 = vector.broadcast %sub3A_82 : i32 to vector<16xi32>
      %sub3A_84 = arith.subi %get3A_78, %sub3A_83 : vector<16xi32>
      %mul3A_85 = arith.constant 2 : i32
      %mul3A_86 = vector.broadcast %mul3A_85 : i32 to vector<16xi32>
      %mul3A_87 = arith.muli %mul3A_86, %sub3A_84 : vector<16xi32>
      %add3A_88 = arith.constant 1 : i32
      %add3A_89 = vector.broadcast %add3A_88 : i32 to vector<16xi32>
      %add3A_90 = arith.addi %mul3A_87, %add3A_89 : vector<16xi32>
      %mul3A_91 = arith.constant 2 : i32
      %mul3A_92 = vector.broadcast %mul3A_91 : i32 to vector<16xi32>
      %mul3A_93 = arith.muli %mul3A_92, %get3A_78 : vector<16xi32>
      %select_n3A_94 = arith.select %ge3A_81, %add3A_90, %mul3A_93 : vector<16xi1>, vector<16xi32>
      %swap3A_95 = arith.constant 48 : index
      %swap3A_96 = tpu.vector_load %arg6[%swap3A_95] {strides = array<i32>} : memref<128xi32, #tpu.memory_space<vmem>>, vector<16xi32>,
      %swap3A_97 = vector.shape_cast %swap3A_96 : vector<16xi32> to vector<16xi32>
      %swap3A_98 = vector.shape_cast %select_n3A_94 : vector<16xi32> to vector<16xi32>
      tpu.vector_store %arg6[%swap3A_95], %swap3A_98 {strides = array<i32>} : memref<128xi32, #tpu.memory_space<vmem>>, vector<16xi32>,
      %get3A_99 = arith.index_cast %scan3A_7 : i32 to index
      %get3A_100 = arith.constant 64 : index
      %get3A_101 = tpu.vector_load %arg5[%get3A_99, %get3A_100] {strides = array<i32>} : memref<200x128xi32, #tpu.memory_space<vmem>>, vector<1x16xi32>,
      %get3A_102 = vector.shape_cast %get3A_101 : vector<1x16xi32> to vector<16xi32>
      %ge3A_103 = arith.constant 500224 : i32
      %ge3A_104 = vector.broadcast %ge3A_103 : i32 to vector<16xi32>
      %ge3A_105 = arith.cmpi sge, %get3A_102, %ge3A_104 : vector<16xi32>
      %sub3A_106 = arith.constant 500224 : i32
      %sub3A_107 = vector.broadcast %sub3A_106 : i32 to vector<16xi32>
      %sub3A_108 = arith.subi %get3A_102, %sub3A_107 : vector<16xi32>
      %mul3A_109 = arith.constant 2 : i32
      %mul3A_110 = vector.broadcast %mul3A_109 : i32 to vector<16xi32>
      %mul3A_111 = arith.muli %mul3A_110, %sub3A_108 : vector<16xi32>
      %add3A_112 = arith.constant 1 : i32
      %add3A_113 = vector.broadcast %add3A_112 : i32 to vector<16xi32>
      %add3A_114 = arith.addi %mul3A_111, %add3A_113 : vector<16xi32>
      %mul3A_115 = arith.constant 2 : i32
      %mul3A_116 = vector.broadcast %mul3A_115 : i32 to vector<16xi32>
      %mul3A_117 = arith.muli %mul3A_116, %get3A_102 : vector<16xi32>
      %select_n3A_118 = arith.select %ge3A_105, %add3A_114, %mul3A_117 : vector<16xi1>, vector<16xi32>
      %swap3A_119 = arith.constant 64 : index
      %swap3A_120 = tpu.vector_load %arg6[%swap3A_119] {strides = array<i32>} : memref<128xi32, #tpu.memory_space<vmem>>, vector<16xi32>,
      %swap3A_121 = vector.shape_cast %swap3A_120 : vector<16xi32> to vector<16xi32>
      %swap3A_122 = vector.shape_cast %select_n3A_118 : vector<16xi32> to vector<16xi32>
      tpu.vector_store %arg6[%swap3A_119], %swap3A_122 {strides = array<i32>} : memref<128xi32, #tpu.memory_space<vmem>>, vector<16xi32>,
      %get3A_123 = arith.index_cast %scan3A_7 : i32 to index
      %get3A_124 = arith.constant 80 : index
      %get3A_125 = tpu.vector_load %arg5[%get3A_123, %get3A_124] {strides = array<i32>} : memref<200x128xi32, #tpu.memory_space<vmem>>, vector<1x16xi32>,
      %get3A_126 = vector.shape_cast %get3A_125 : vector<1x16xi32> to vector<16xi32>
      %ge3A_127 = arith.constant 500224 : i32
      %ge3A_128 = vector.broadcast %ge3A_127 : i32 to vector<16xi32>
      %ge3A_129 = arith.cmpi sge, %get3A_126, %ge3A_128 : vector<16xi32>
      %sub3A_130 = arith.constant 500224 : i32
      %sub3A_131 = vector.broadcast %sub3A_130 : i32 to vector<16xi32>
      %sub3A_132 = arith.subi %get3A_126, %sub3A_131 : vector<16xi32>
      %mul3A_133 = arith.constant 2 : i32
      %mul3A_134 = vector.broadcast %mul3A_133 : i32 to vector<16xi32>
      %mul3A_135 = arith.muli %mul3A_134, %sub3A_132 : vector<16xi32>
      %add3A_136 = arith.constant 1 : i32
      %add3A_137 = vector.broadcast %add3A_136 : i32 to vector<16xi32>
      %add3A_138 = arith.addi %mul3A_135, %add3A_137 : vector<16xi32>
      %mul3A_139 = arith.constant 2 : i32
      %mul3A_140 = vector.broadcast %mul3A_139 : i32 to vector<16xi32>
      %mul3A_141 = arith.muli %mul3A_140, %get3A_126 : vector<16xi32>
      %select_n3A_142 = arith.select %ge3A_129, %add3A_138, %mul3A_141 : vector<16xi1>, vector<16xi32>
      %swap3A_143 = arith.constant 80 : index
      %swap3A_144 = tpu.vector_load %arg6[%swap3A_143] {strides = array<i32>} : memref<128xi32, #tpu.memory_space<vmem>>, vector<16xi32>,
      %swap3A_145 = vector.shape_cast %swap3A_144 : vector<16xi32> to vector<16xi32>
      %swap3A_146 = vector.shape_cast %select_n3A_142 : vector<16xi32> to vector<16xi32>
      tpu.vector_store %arg6[%swap3A_143], %swap3A_146 {strides = array<i32>} : memref<128xi32, #tpu.memory_space<vmem>>, vector<16xi32>,
      %get3A_147 = arith.index_cast %scan3A_7 : i32 to index
      %get3A_148 = arith.constant 96 : index
      %get3A_149 = tpu.vector_load %arg5[%get3A_147, %get3A_148] {strides = array<i32>} : memref<200x128xi32, #tpu.memory_space<vmem>>, vector<1x16xi32>,
      %get3A_150 = vector.shape_cast %get3A_149 : vector<1x16xi32> to vector<16xi32>
      %ge3A_151 = arith.constant 500224 : i32
      %ge3A_152 = vector.broadcast %ge3A_151 : i32 to vector<16xi32>
      %ge3A_153 = arith.cmpi sge, %get3A_150, %ge3A_152 : vector<16xi32>
      %sub3A_154 = arith.constant 500224 : i32
      %sub3A_155 = vector.broadcast %sub3A_154 : i32 to vector<16xi32>
      %sub3A_156 = arith.subi %get3A_150, %sub3A_155 : vector<16xi32>
      %mul3A_157 = arith.constant 2 : i32
      %mul3A_158 = vector.broadcast %mul3A_157 : i32 to vector<16xi32>
      %mul3A_159 = arith.muli %mul3A_158, %sub3A_156 : vector<16xi32>
      %add3A_160 = arith.constant 1 : i32
      %add3A_161 = vector.broadcast %add3A_160 : i32 to vector<16xi32>
      %add3A_162 = arith.addi %mul3A_159, %add3A_161 : vector<16xi32>
      %mul3A_163 = arith.constant 2 : i32
      %mul3A_164 = vector.broadcast %mul3A_163 : i32 to vector<16xi32>
      %mul3A_165 = arith.muli %mul3A_164, %get3A_150 : vector<16xi32>
      %select_n3A_166 = arith.select %ge3A_153, %add3A_162, %mul3A_165 : vector<16xi1>, vector<16xi32>
      %swap3A_167 = arith.constant 96 : index
      %swap3A_168 = tpu.vector_load %arg6[%swap3A_167] {strides = array<i32>} : memref<128xi32, #tpu.memory_space<vmem>>, vector<16xi32>,
      %swap3A_169 = vector.shape_cast %swap3A_168 : vector<16xi32> to vector<16xi32>
      %swap3A_170 = vector.shape_cast %select_n3A_166 : vector<16xi32> to vector<16xi32>
      tpu.vector_store %arg6[%swap3A_167], %swap3A_170 {strides = array<i32>} : memref<128xi32, #tpu.memory_space<vmem>>, vector<16xi32>,
      %get3A_171 = arith.index_cast %scan3A_7 : i32 to index
      %get3A_172 = arith.constant 112 : index
      %get3A_173 = tpu.vector_load %arg5[%get3A_171, %get3A_172] {strides = array<i32>} : memref<200x128xi32, #tpu.memory_space<vmem>>, vector<1x16xi32>,
      %get3A_174 = vector.shape_cast %get3A_173 : vector<1x16xi32> to vector<16xi32>
      %ge3A_175 = arith.constant 500224 : i32
      %ge3A_176 = vector.broadcast %ge3A_175 : i32 to vector<16xi32>
      %ge3A_177 = arith.cmpi sge, %get3A_174, %ge3A_176 : vector<16xi32>
      %sub3A_178 = arith.constant 500224 : i32
      %sub3A_179 = vector.broadcast %sub3A_178 : i32 to vector<16xi32>
      %sub3A_180 = arith.subi %get3A_174, %sub3A_179 : vector<16xi32>
      %mul3A_181 = arith.constant 2 : i32
      %mul3A_182 = vector.broadcast %mul3A_181 : i32 to vector<16xi32>
      %mul3A_183 = arith.muli %mul3A_182, %sub3A_180 : vector<16xi32>
      %add3A_184 = arith.constant 1 : i32
      %add3A_185 = vector.broadcast %add3A_184 : i32 to vector<16xi32>
      %add3A_186 = arith.addi %mul3A_183, %add3A_185 : vector<16xi32>
      %mul3A_187 = arith.constant 2 : i32
      %mul3A_188 = vector.broadcast %mul3A_187 : i32 to vector<16xi32>
      %mul3A_189 = arith.muli %mul3A_188, %get3A_174 : vector<16xi32>
      %select_n3A_190 = arith.select %ge3A_177, %add3A_186, %mul3A_189 : vector<16xi1>, vector<16xi32>
      %swap3A_191 = arith.constant 112 : index
      %swap3A_192 = tpu.vector_load %arg6[%swap3A_191] {strides = array<i32>} : memref<128xi32, #tpu.memory_space<vmem>>, vector<16xi32>,
      %swap3A_193 = vector.shape_cast %swap3A_192 : vector<16xi32> to vector<16xi32>
      %swap3A_194 = vector.shape_cast %select_n3A_190 : vector<16xi32> to vector<16xi32>
      tpu.vector_store %arg6[%swap3A_191], %swap3A_194 {strides = array<i32>} : memref<128xi32, #tpu.memory_space<vmem>>, vector<16xi32>,
      %dma_start3A = arith.constant 0 : i32
      %dma_start3A_195 = arith.constant 0 : i32
      %dma_start3A_196 = tpu.memref_slice %arg2[%dma_start3A, %dma_start3A_195] : memref<1000448x64xf32, #tpu.memory_space<hbm>> -> memref<1000448x64xf32, #tpu.memory_space<hbm>>
      tpu.enqueue_indirect_dma source(%dma_start3A_196 : memref<1000448x64xf32, #tpu.memory_space<hbm>>) target(%arg7 : memref<128x64xf32, #tpu.memory_space<vmem>>) offsets(%arg6 : memref<128xi32, #tpu.memory_space<vmem>>) semaphore(%arg8 : memref<!tpu.dma_semaphore, #tpu.memory_space<semaphore_mem>>)
      %dma_wait3A = arith.constant 0 : i32
      %dma_wait3A_197 = arith.constant 0 : i32
      %dma_wait3A_198 = tpu.memref_slice %arg2[%dma_wait3A, %dma_wait3A_197] : memref<1000448x64xf32, #tpu.memory_space<hbm>> -> memref<1000448x64xf32, #tpu.memory_space<hbm>>
      tpu.wait_indirect_dma semaphore(%arg8 : memref<!tpu.dma_semaphore, #tpu.memory_space<semaphore_mem>>) src(%dma_wait3A_198 : memref<1000448x64xf32, #tpu.memory_space<hbm>>) dst(%arg7 : memref<128x64xf32, #tpu.memory_space<vmem>>)
      %mul3A_199 = arith.constant 128 : i32
      %mul3A_200 = arith.muli %scan3A_7, %mul3A_199 : i32
      %add3A_201 = arith.addi %mul3A_2, %mul3A_200 : i32
      "tpu.region"() ({
        %run_scoped3A = tpu.sem_alloc : memref<!tpu.dma_semaphore, #tpu.memory_space<semaphore_mem>>
        %dma_start3A_202 = arith.constant 0 : i32
        %dma_start3A_203 = tpu.memref_slice %arg4[%add3A_201, %dma_start3A_202] : memref<819200x64xf32, #tpu.memory_space<hbm>> -> memref<128x64xf32, #tpu.memory_space<hbm>>
        %dma_start3A_204 = arith.constant 0 : i32
        %dma_start3A_205 = tpu.memref_slice %arg4[%add3A_201, %dma_start3A_204] : memref<819200x64xf32, #tpu.memory_space<hbm>> -> memref<128x64xf32, #tpu.memory_space<hbm>>
        tpu.enqueue_dma source(%arg7 : memref<128x64xf32, #tpu.memory_space<vmem>>) target(%dma_start3A_205 : memref<128x64xf32, #tpu.memory_space<hbm>>) target_semaphore(%run_scoped3A : memref<!tpu.dma_semaphore, #tpu.memory_space<semaphore_mem>>)
        %dma_wait3A_206 = arith.constant 0 : i32
        %dma_wait3A_207 = tpu.memref_slice %arg4[%add3A_201, %dma_wait3A_206] : memref<819200x64xf32, #tpu.memory_space<hbm>> -> memref<128x64xf32, #tpu.memory_space<hbm>>
        %dma_wait3A_208 = arith.constant 0 : i32
        %dma_wait3A_209 = tpu.memref_slice %arg4[%add3A_201, %dma_wait3A_208] : memref<819200x64xf32, #tpu.memory_space<hbm>> -> memref<128x64xf32, #tpu.memory_space<hbm>>
        tpu.wait_dma2 semaphore(%run_scoped3A : memref<!tpu.dma_semaphore, #tpu.memory_space<semaphore_mem>>) src(%arg7 : memref<128x64xf32, #tpu.memory_space<vmem>>) dst(%dma_wait3A_209 : memref<128x64xf32, #tpu.memory_space<hbm>>)
        tpu.yield
      }) : () -> ()
    }
    %scan3A_6 = arith.constant 200 : i32
    return
  }
}

</mosaic_0001>

<sc_bundles>
// kernel: kernel.4.cloned.1.call-start
scs
__scs_entry_jumppad:
0x0: {  	(pc) =	sbr.rel $0x88, $3  }
0x1: {  	(tag) =	ssettag $0x0;
	lr =	simm.s32 $0x1  }
0x2: {  	[smem:$0x3F9F] =	sst lr;
	_ =	strace $0xD0000000  }
0x3: {  	_ = 	snop  }
0x4: {  	_ = 	snop  }
0x5: {  	_ = 	snop  }
0x6: {  	_ = 	snop  }
0x7: {  	_ = 	snop  }
__scs_overlays_trampoline_lowered:
0x8: {  	[smem:$0x3FAE] =	sst s0  }
0x9: {  	[smem:$0x3FAF] =	sst s1  }
0xa: {  	[smem:$0x3FB0] =	sst s2  }
0xb: {  	[smem:$0x3FB1] =	sst s3  }
0xc: {  	[smem:$0x3FB2] =	sst s4  }
0xd: {  	[smem:$0x3FB3] =	sst s5  }
0xe: {  	[smem:$0x3FB4] =	sst s6  }
0xf: {  	[smem:$0x3FB5] =	sst s7  }
0x10: {  	[smem:$0x3FB6] =	sst s8  }
0x11: {  	[smem:$0x3FB7] =	sst s9;
	s0 =	simm.s32 @!p0 $0x0  }
0x12: {  	s1 =	sld [smem:$0x3F9D];
	s0 =	simm.s32 @p0 $0x1  }
0x13: {  	[smem:$0x3FB8] =	sst s0;
	s0 =	simm.s32 @!p1 $0x0  }
0x14: {  	s2 =	sld [smem:$0x3F9C];
	s0 =	simm.s32 @p1 $0x1  }
0x15: {  	[smem:$0x3FB9] =	sst s0;
	s0 =	simm.s32 @!p2 $0x0  }
0x16: {  	s3 =	sld [smem:$0x3FDB];
	s0 =	simm.s32 @p2 $0x1  }
0x17: {  	s4 =	simm.s32 $0x1BF5;
	[smem:$0x3FBB] =	sst s0  }
0x18: {  	s0 =	sld [smem:$0x3F9E];
	_ =	swait.ge [sflag:s4], $0x0  }
0x19: {  	s7 =	sld [smem:$0x3F9F]  }
0x1a: {  	s8 =	sadd.s32 $0xFFFFE003, lr  }
0x1b: {  	s9 =	sadd.s32 $0xFFFFFEF7, lr;
	s5 =	simm.s32 $0xFFFFFFFF;
	p2 =	slt.u32 s8, $0xFFFFF086  }
0x1c: {  	p1 =	slt.u32 s9, $0xF7A;
	s5 =	simm.s32 @!p2 $0x0  }
0x1d: {  	s5 =	simm.s32 @p1 $0x1;
	p0 =	seq.s32 s7, s2  }
0x1e: {  	s7 =	smul.u32 @!p0 $0xF7A, s2;
	p2 =	seq.s32 @!p0 s5, $0x0  }
0x1f: {  	s9 =	smul.u32 $0xF7A, s1;
	s8 =	simm.s32 @!p0 $0x1BF5;
	p2 =	por !p2, p0  }
0x20: {  	[sflag:s8] =	ssyncset.s32 @!p0 $0xFFFFF086;
	s6 =	sadd.s32 @!p0 s3, s7;
	s7 =	simm.s32 @!p0 $0x108  }
0x21: {  	s3 =	sadd.s32 s3, s9;
	s6 =	sadd.s32 @!p0 $0x88, s6;
	s7 =	simm.s32 @p2 $0x1082  }
0x22: {  	[simem:s7], [sflag:s8] =	dma.local @!p0 [hbm:s6], $0xF7A  }
0x23: {  	s9 =	sor.u32 $0xD0000000, s2;
	s6 =	simm.s32 $0x108;
	_ =	swait.ge @!p0 [sflag:s8], $0x0  }
0x24: {  	s3 =	sadd.s32 $0x88, s3;
	s6 =	simm.s32 @!p1 $0x1082;
	[sflag:s4] =	ssyncset.s32 $0xFFFFF086  }
0x25: {  	[simem:s6], [sflag:s4] =	dma.local [hbm:s3], $0xF7A  }
0x26: {  	[smem:$0x3F9F] =	sst s1;
	(tag) =	ssettag s2;
	_ =	strace s9  }
0x27: {  	s1 =	sld [smem:$0x3FAF]  }
0x28: {  	s2 =	sld [smem:$0x3FB0]  }
0x29: {  	s4 =	sld [smem:$0x3FB2]  }
0x2a: {  	p0 =	seq.s32 s5, $0x0;
	s5 =	sld [smem:$0x3FB3]  }
0x2b: {  	s6 =	sld [smem:$0x3FB4]  }
0x2c: {  	s7 =	sld [smem:$0x3FB5]  }
0x2d: {  	s3 =	simm.s32 $0x108;
	s8 =	sld [smem:$0x3FB6]  }
0x2e: {  	s3 =	simm.s32 @!p0 $0x1082;
	s9 =	sld [smem:$0x3FB7]  }
0x2f: {  	lr =	sadd.s32 s0, s3;
	s0 =	sld [smem:$0x3FAE]  }
0x30: {  	s3 =	sld [smem:$0x3FB1]  }
0x31: {  	[smem:$0x3FBA] =	sst s10  }
0x32: {  	s10 =	sld [smem:$0x3FB8];
	_ =	sdelay $0x3  }
0x33: {  	p0 =	seq.s32 s10, $0x1;
	s10 =	sld [smem:$0x3FBA];
	_ =	sdelay $0x3  }
0x34: {  	[smem:$0x3FBA] =	sst s10  }
0x35: {  	s10 =	sld [smem:$0x3FB9];
	_ =	sdelay $0x3  }
0x36: {  	p1 =	seq.s32 s10, $0x1;
	s10 =	sld [smem:$0x3FBA];
	_ =	sdelay $0x3  }
0x37: {  	[smem:$0x3FBA] =	sst s10  }
0x38: {  	s10 =	sld [smem:$0x3FBB]  }
0x39: {  	_ = 	snop;
	(pc) =	sbr.ind lr, $3  }
0x3a: {  	_ = 	snop  }
0x3b: {  	_ = 	snop  }
0x3c: {  	p2 =	seq.s32 s10, $0x1;
	s10 =	sld [smem:$0x3FBA]  }
0x3d: {  	_ =	shalt  }
0x3e: {  	_ =	shalt  }
0x3f: {  	_ =	shalt  }
0x40: {  	_ =	shalt  }
0x41: {  	_ =	shalt  }
0x42: {  	_ =	shalt  }
0x43: {  	_ =	shalt  }
0x44: {  	_ =	shalt  }
0x45: {  	_ =	shalt  }
0x46: {  	_ =	shalt  }
0x47: {  	_ =	shalt  }
0x48: {  	_ =	shalt  }
0x49: {  	_ =	shalt  }
0x4a: {  	_ =	shalt  }
0x4b: {  	_ =	shalt  }
0x4c: {  	_ =	shalt  }
0x4d: {  	_ =	shalt  }
0x4e: {  	_ =	shalt  }
0x4f: {  	_ =	shalt  }
0x50: {  	_ =	shalt  }
0x51: {  	_ =	shalt  }
0x52: {  	_ =	shalt  }
0x53: {  	_ =	shalt  }
0x54: {  	_ =	shalt  }
0x55: {  	_ =	shalt  }
0x56: {  	_ =	shalt  }
0x57: {  	_ =	shalt  }
0x58: {  	_ =	shalt  }
0x59: {  	_ =	shalt  }
0x5a: {  	_ =	shalt  }
0x5b: {  	_ =	shalt  }
0x5c: {  	_ =	shalt  }
0x5d: {  	_ =	shalt  }
0x5e: {  	_ =	shalt  }
0x5f: {  	_ =	shalt  }
0x60: {  	_ =	shalt  }
0x61: {  	_ =	shalt  }
0x62: {  	_ =	shalt  }
0x63: {  	_ =	shalt  }
0x64: {  	_ =	shalt  }
0x65: {  	_ =	shalt  }
0x66: {  	_ =	shalt  }
0x67: {  	_ =	shalt  }
0x68: {  	_ =	shalt  }
0x69: {  	_ =	shalt  }
0x6a: {  	_ =	shalt  }
0x6b: {  	_ =	shalt  }
0x6c: {  	_ =	shalt  }
0x6d: {  	_ =	shalt  }
0x6e: {  	_ =	shalt  }
0x6f: {  	_ =	shalt  }
0x70: {  	_ =	shalt  }
0x71: {  	_ =	shalt  }
0x72: {  	_ =	shalt  }
0x73: {  	_ =	shalt  }
0x74: {  	_ =	shalt  }
0x75: {  	_ =	shalt  }
0x76: {  	_ =	shalt  }
0x77: {  	_ =	shalt  }
0x78: {  	_ =	shalt  }
0x79: {  	_ =	shalt  }
0x7a: {  	_ =	shalt  }
0x7b: {  	_ =	shalt  }
0x7c: {  	_ =	shalt  }
0x7d: {  	_ =	shalt  }
0x7e: {  	_ =	shalt  }
0x7f: {  	_ =	shalt  }
0x80: {  	_ =	shalt  }
0x81: {  	_ =	shalt  }
0x82: {  	_ =	shalt  }
0x83: {  	_ =	shalt  }
0x84: {  	_ =	shalt  }
0x85: {  	_ =	shalt  }
0x86: {  	_ =	shalt  }
0x87: {  	_ =	shalt  }
.Lfunc_end0:
.L_simem_size_0:
called_computation.1_lowered:
.L_overlay_start_0:
0x88: {  	s2 =	sld [smem:$0x3FD9]  }
0x89: {  	s3 =	sld [smem:$0x3FFE];
	_ =	sdelay $0x1  }
0x8a: {  	s1 =	srdreg.scid  }
0x8b: {  	s0 =	sand.u32 $0x1, s1  }
0x8c: {  	s17 =	sshll.u32 s0, $0xA;
	s2 =	sadd.s32 s3, s2  }
0x8d: {  	s2 =	sadd.s32 s2, s17  }
0x8e: {  	[smem:$0x3FC6] =	sst s2  }
0x8f: {  	_ = 	snop  }
0x90: {  	s2 =	sld [smem:$0x3FC8];
	(tm) =	ssettm $0x1  }
0x91: {  	s18 =	sld [smem:$0x3FFB];
	_ =	sdelay $0x3  }
0x92: {  	_ =	strace s18  }
0x93: {  	s3 =	sld [smem:$0x3FFC];
	_ =	sdelay $0x3  }
0x94: {  	_ =	strace s3  }
0x95: {  	s3 =	sld [smem:$0x3FFD];
	_ =	sdelay $0x3  }
0x96: {  	_ =	strace s3  }
0x97: {  	_ =	strace $0x8FFFFFFF  }
0x98: {  	s19 =	sld [smem:$0x3FDB];
	_ =	sdelay $0x1  }
0x99: {  	s4 =	simm.s32 $_scs_section_size  }
0x9a: {  	s5 =	simm.s32 $_size__tile_overlayer_lowered;
	s6 =	simm.s32 $_tile_overlayer_lowered  }
0x9b: {  	s22 =	simm.s32 $0x1BFF;
	s21 =	sshll.u32 s6, $0x1;
	s3 =	sadd.s32 s4, s19  }
0x9c: {  	s7 =	simm.s32 $0x0;
	s20 =	sshll.u32 s5, $0x1;
	s5 =	sadd.s32 s21, s3  }
0x9d: {  	[timem:s7], [sflag:s22] =	dma.local [hbm:s5], s20  }
0x9e: {  	_ =	swait.ge [sflag:s22], s20  }
0x9f: {  	s4 =	ssub.s32 $0x0, s20;
	[sflag:s22] =	ssyncset.done $0x0  }
0xa0: {  	[sflag:s22] =	ssyncadd.s32 s4;
	_ =	sdelay $0x1  }
0xa1: {  	s23 =	simm.s32 $0x1B8B  }
0xa2: {  	_ =	swait.ge [sflag:s23], $0x1  }
0xa3: {  	[sflag:s23] =	ssyncset.done $0x0  }
0xa4: {  	s25 =	simm.s32 $0x1B8E;
	s24 =	sld [smem:$0x3FFE];
	[sflag:s23] =	ssyncadd.s32 $0xFFFFFFFF  }
0xa5: {  	s26 =	simm.s32 $execute0_lowered;
	[smem:$0x3FD2] =	sst s25  }
0xa6: {  	s5 =	sshll.u32 s26, $0x1;
	_ =	strace $0x80000046;
	[dreg:$0x1] =	wrdreg $0xFFFFFFFF  }
0xa7: {  	s28 =	simm.s32 $_size_execute0_lowered;
	s3 =	sadd.s32 s3, s5;
	[dreg:$0x0] =	wrdreg $0x0  }
0xa8: {  	s5 =	sshll.u32 s28, $0x1;
	[dreg:$0x2] =	wrdreg s3  }
0xa9: {  	[dreg:$0x3] =	wrdreg s5  }
0xaa: {  	[dreg:$0x4] =	wrdreg $0xC0  }
0xab: {  	_ =	task [dreg:s7], $0x5FFFF  }
0xac: {  	[dreg:$0x1] =	wrdreg $0xFFFFFFFF  }
0xad: {  	[dreg:$0x0] =	wrdreg $0x60  }
0xae: {  	[dreg:$0x2] =	wrdreg s2  }
0xaf: {  	[dreg:$0x3] =	wrdreg s24  }
0xb0: {  	[dreg:$0x4] =	wrdreg $0x9  }
0xb1: {  	_ =	task.clear_ibuf [dreg:s7], $0x5FFFF;
	_ =	strace $0x90000046  }
0xb2: {  	s29 =	simm.s32 $0x9;
	_ =	strace $0x80000048  }
0xb3: {  	_ =	swait.ge [sflag:s29], $0x1  }
0xb4: {  	[sflag:s29] =	ssyncadd.s32 $0xFFFFFFFF  }
0xb5: {  	_ =	strace $0x90000048  }
0xb6: {  	_ =	sfence  }
0xb7: {  	s30 =	sld [smem:$0x0];
	_ =	sdelay $0x2  }
0xb8: {  	s31 =	sshll.u32 s1, $0xD;
	s1 =	sshrl.u32 s1, $0x2  }
0xb9: {  	s3 =	sand.u32 $0x4000, s31;
	s1 =	sadd.s32 s1, s30  }
0xba: {  	s0 =	sor.u32 s3, s0;
	s1 =	sshll.u32 s1, $0x11  }
0xbb: {  	s0 =	sor.u32 s1, s0  }
0xbc: {  	s0 =	sadd.s32 $0x8F2B, s0  }
0xbd: {  	[sflag:s0] =	ssyncadd.remote.s32 $0x1  }
0xbe: {  	_ =	sfence.sel $0xFFFF  }
0xbf: {  	[dreg:$0x0] =	wrdreg $0xFFFFFFFF;
	(pc) =	sbr.abs _section_cstart, $3  }
0xc0: {  	[dreg:$0x1] =	wrdreg $0xFFFFFFFF  }
0xc1: {  	_ =	task.clear_ibuf [dreg:s7], $0x2FFFF;
	_ =	strace $0x9FFFFFFF  }
0xc2: {  	(tm) =	ssettm $0x7FFFFFFF  }
0xc3: {  	_ =	shalt  }
tec
execute0_lowered:
.L_overlay_start_1:
0x0: {  	(tag) =	ssettag $0x1  }
0x1: {  	v0 =	vimm.s32 $0xB80;
	vm14 =	vcmask $0x300  }
0x2: {  	v1 =	vimm.s32 $0x1B80;
	vm13 =	vcmask $0x704;
	vm12 =	vcmask $0xB08  }
0x3: {  	vm11 =	vcmask $0xF0C;
	vm10 =	vcmask $0x1310;
	vm9 =	vcmask $0x1714  }
0x4: {  	vm8 =	vcmask $0x1B18;
	vm7 =	vcmask $0x1F1C;
	vm6 =	vcmask $0x2320  }
0x5: {  	vm5 =	vcmask $0x2724;
	vm4 =	vcmask $0x2B28;
	vm3 =	vcmask $0x2F2C  }
0x6: {  	vm2 =	vcmask $0x3330;
	vm1 =	vcmask $0x3734;
	vm0 =	vcmask $0x3B38  }
0x7: {  	v2 =	vimm.s32 $0x2B80;
	v3 =	vimm.s32 $0x3B80;
	v4 =	vimm.s32 $0x4B80  }
0x8: {  	v5 =	vimm.s32 $0x5B80;
	v6 =	vimm.s32 $0x6B80;
	v7 =	vimm.s32 $0x7B80  }
0x9: {  	v0 =	vsel vm14, $0x0, v0;
	v1 =	vsel vm14, $0x1000, v1;
	v2 =	vsel vm14, $0x2000, v2  }
0xa: {  	v3 =	vsel vm14, $0x3000, v3;
	v4 =	vsel vm14, $0x4000, v4;
	v5 =	vsel vm14, $0x5000, v5  }
0xb: {  	v6 =	vsel vm14, $0x6000, v6;
	v7 =	vsel vm14, $0x7000, v7;
	v0 =	vsel vm13, $0x80, v0  }
0xc: {  	v1 =	vsel vm13, $0x1080, v1;
	v2 =	vsel vm13, $0x2080, v2;
	v3 =	vsel vm13, $0x3080, v3  }
0xd: {  	v4 =	vsel vm13, $0x4080, v4;
	v5 =	vsel vm13, $0x5080, v5;
	v6 =	vsel vm13, $0x6080, v6  }
0xe: {  	v7 =	vsel vm13, $0x7080, v7;
	v0 =	vsel vm12, $0x100, v0;
	v1 =	vsel vm12, $0x1100, v1  }
0xf: {  	v2 =	vsel vm12, $0x2100, v2;
	v3 =	vsel vm12, $0x3100, v3;
	v4 =	vsel vm12, $0x4100, v4  }
0x10: {  	v5 =	vsel vm12, $0x5100, v5;
	v6 =	vsel vm12, $0x6100, v6;
	v7 =	vsel vm12, $0x7100, v7  }
0x11: {  	v0 =	vsel vm11, $0x180, v0;
	v1 =	vsel vm11, $0x1180, v1;
	v2 =	vsel vm11, $0x2180, v2  }
0x12: {  	v3 =	vsel vm11, $0x3180, v3;
	v4 =	vsel vm11, $0x4180, v4;
	v5 =	vsel vm11, $0x5180, v5  }
0x13: {  	v6 =	vsel vm11, $0x6180, v6;
	v7 =	vsel vm11, $0x7180, v7;
	v0 =	vsel vm10, $0x200, v0  }
0x14: {  	v1 =	vsel vm10, $0x1200, v1;
	v2 =	vsel vm10, $0x2200, v2;
	v3 =	vsel vm10, $0x3200, v3  }
0x15: {  	v4 =	vsel vm10, $0x4200, v4;
	v5 =	vsel vm10, $0x5200, v5;
	v6 =	vsel vm10, $0x6200, v6  }
0x16: {  	v7 =	vsel vm10, $0x7200, v7;
	v0 =	vsel vm9, $0x280, v0;
	v1 =	vsel vm9, $0x1280, v1  }
0x17: {  	v2 =	vsel vm9, $0x2280, v2;
	v3 =	vsel vm9, $0x3280, v3;
	v4 =	vsel vm9, $0x4280, v4  }
0x18: {  	v5 =	vsel vm9, $0x5280, v5;
	v6 =	vsel vm9, $0x6280, v6;
	v7 =	vsel vm9, $0x7280, v7  }
0x19: {  	v0 =	vsel vm8, $0x300, v0;
	v1 =	vsel vm8, $0x1300, v1;
	v2 =	vsel vm8, $0x2300, v2  }
0x1a: {  	v3 =	vsel vm8, $0x3300, v3;
	v4 =	vsel vm8, $0x4300, v4;
	v5 =	vsel vm8, $0x5300, v5  }
0x1b: {  	v6 =	vsel vm8, $0x6300, v6;
	v7 =	vsel vm8, $0x7300, v7;
	v0 =	vsel vm7, $0x380, v0  }
0x1c: {  	v1 =	vsel vm7, $0x1380, v1;
	v2 =	vsel vm7, $0x2380, v2;
	v3 =	vsel vm7, $0x3380, v3  }
0x1d: {  	v4 =	vsel vm7, $0x4380, v4;
	v5 =	vsel vm7, $0x5380, v5;
	v6 =	vsel vm7, $0x6380, v6  }
0x1e: {  	v7 =	vsel vm7, $0x7380, v7;
	v0 =	vsel vm6, $0x800, v0;
	v1 =	vsel vm6, $0x1800, v1  }
0x1f: {  	v2 =	vsel vm6, $0x2800, v2;
	v3 =	vsel vm6, $0x3800, v3;
	v4 =	vsel vm6, $0x4800, v4  }
0x20: {  	v5 =	vsel vm6, $0x5800, v5;
	v6 =	vsel vm6, $0x6800, v6;
	v7 =	vsel vm6, $0x7800, v7  }
0x21: {  	v0 =	vsel vm5, $0x880, v0;
	v1 =	vsel vm5, $0x1880, v1;
	v2 =	vsel vm5, $0x2880, v2  }
0x22: {  	s7 =	rddreg [dreg:$0x0];
	v3 =	vsel vm5, $0x3880, v3;
	v4 =	vsel vm5, $0x4880, v4;
	v5 =	vsel vm5, $0x5880, v5  }
0x23: {  	s0 =	rddreg [dreg:$0x1];
	s2 =	simm.s32 $0x0;
	s1 =	srdreg.scid;
	v6 =	vsel vm5, $0x6880, v6;
	v7 =	vsel vm5, $0x7880, v7;
	v0 =	vsel vm4, $0x900, v0  }
0x24: {  	s6 =	stileid.u32;
	s5 =	simm.s32 $0x7B;
	s9 =	simm.s32 $0x400;
	v1 =	vsel vm4, $0x1900, v1;
	v2 =	vsel vm4, $0x2900, v2;
	v3 =	vsel vm4, $0x3900, v3  }
0x25: {  	s10 =	simm.s32 $0x7A1400;
	s11 =	simm.s32 $0x1;
	s12 =	simm.s32 $0x2000;
	v4 =	vsel vm4, $0x4900, v4;
	v5 =	vsel vm4, $0x5900, v5;
	v6 =	vsel vm4, $0x6900, v6  }
0x26: {  	s13 =	simm.s32 $0x4000;
	s14 =	simm.s32 $0x4800;
	s15 =	simm.s32 $0x5000;
	v7 =	vsel vm4, $0x7900, v7;
	v0 =	vsel vm3, $0x980, v0;
	v1 =	vsel vm3, $0x1980, v1  }
0x27: {  	s16 =	simm.s32 $0x5800;
	s17 =	simm.s32 $0x6000;
	s18 =	simm.s32 $0x6800;
	v2 =	vsel vm3, $0x2980, v2;
	v3 =	vsel vm3, $0x3980, v3;
	v4 =	vsel vm3, $0x4980, v4  }
0x28: {  	s19 =	simm.s32 $0x7000;
	s20 =	simm.s32 $0x7800;
	s21 =	simm.s32 $0x8000;
	v5 =	vsel vm3, $0x5980, v5;
	v6 =	vsel vm3, $0x6980, v6;
	v7 =	vsel vm3, $0x7980, v7  }
0x29: {  	s22 =	simm.s32 $0x8800;
	s23 =	simm.s32 $0x9000;
	s24 =	simm.s32 $0x9800;
	v0 =	vsel vm2, $0xA00, v0;
	v1 =	vsel vm2, $0x1A00, v1;
	v2 =	vsel vm2, $0x2A00, v2  }
0x2a: {  	s25 =	simm.s32 $0xA000;
	s26 =	simm.s32 $0xA800;
	s28 =	simm.s32 $0xB000;
	v3 =	vsel vm2, $0x3A00, v3;
	v4 =	vsel vm2, $0x4A00, v4;
	v5 =	vsel vm2, $0x5A00, v5  }
0x2b: {  	s29 =	simm.s32 $0xB800;
	s30 =	simm.s32 $0x2;
	s1 =	sand.u32 $0x1, s1;
	v6 =	vsel vm2, $0x6A00, v6;
	v7 =	vsel vm2, $0x7A00, v7;
	v0 =	vsel vm1, $0xA80, v0  }
0x2c: {  	[smem:$0x7FF] =	sst s2;
	s4 =	sadd.s32 $0xE00, s0;
	s3 =	ssub.s32 $0x2, s1;
	v1 =	vsel vm1, $0x1A80, v1;
	v2 =	vsel vm1, $0x2A80, v2;
	v3 =	vsel vm1, $0x3A80, v3  }
0x2d: {  	p0 =	slt.u32 s6, $0x2;
	s6 =	sshll.u32 s6, $0x8;
	s31 =	sshrl.u32 s3, $0x1;
	v4 =	vsel vm1, $0x4A80, v4;
	v5 =	vsel vm1, $0x5A80, v5;
	v6 =	vsel vm1, $0x6A80, v6  }
0x2e: {  	s8 =	sadd.s32 $0x7A200, s7;
	_ =	strace $0x80000047;
	s0 =	ssub.s32 s3, s31;
	v7 =	vsel vm1, $0x7A80, v7;
	v0 =	vsel vm0, $0xB00, v0;
	v1 =	vsel vm0, $0x1B00, v1  }
0x2f: {  	s1 =	sshll.u32 s1, $0x7;
	s5 =	simm.s32 @!p0 $0x7A;
	s0 =	smax.u32 s0, $0x1;
	v2 =	vsel vm0, $0x2B00, v2;
	v3 =	vsel vm0, $0x3B00, v3;
	v4 =	vsel vm0, $0x4B00, v4  }
0x30: {  	s6 =	sor.u32 s1, s6;
	s1 =	simm.s32 $0x0;
	[dreg:$0x3] =	wrdreg s0;
	v5 =	vsel vm0, $0x5B00, v5;
	v6 =	vsel vm0, $0x6B00, v6;
	v7 =	vsel vm0, $0x7B00, v7  }
.LBB2_1:
0x31: {  	[dreg:$0x4] =	wrdreg s1;
	s1 =	simm.s32 $0x0  }
.LBB2_2:
0x32: {  	s0 =	sshll.u32 s1, $0xC  }
0x33: {  	s7 =	rddreg [dreg:$0x0];
	s3 =	sor.u32 s6, s0  }
0x34: {  	s0 =	sadd.s32 s7, s3;
	s7 =	simm.s32 $0x0  }
0x35: {  	[tilespmem:s7], [sflag:$0x1] =	stream.strided.gather [hbm4b:s0+s9], $0x2000, s10, s9, $0x38;
	[tilespmem:$0xC000] =	vst v63  }
0x36: {  	p0 =	slt.s32 s3, $0x7A000;
	s0 =	smov.u32 s3;
	_ =	swait.ge [sflag:s11], $0x2000  }
0x37: {  	s0 =	simm.s32 @!p0 $0x7A000;
	[sflag:s11] =	ssyncset.done $0x0  }
0x38: {  	s0 =	sadd.s32 s8, s0;
	[sflag:s11] =	ssyncadd.s32 $0xFFFFE000  }
0x39: {  	v8 =	vimm.s32 $0x0;
	[tilespmem:s12], [sflag:$0x1] =	stream.strided.gather [hbm4b:s0+s9], $0x2000, s10, s9, $0x38;
	[tilespmem:$0xC000] =	vst v63  }
0x3a: {  	v9 =	vshll.u32 v8, $0x3;
	_ =	swait.ge [sflag:s11], $0x2000  }
0x3b: {  	v10 =	vand.u32 $0x7F, v8;
	v9 =	vand.u32 $0xFFFFFC00, v9;
	[sflag:s11] =	ssyncset.done $0x0  }
0x3c: {  	v9 =	vor.u32 v10, v9;
	s0 =	simm.s32 $0x0;
	[sflag:s11] =	ssyncadd.s32 $0xFFFFE000  }
0x3d: {  	v11 =	vadd.s32 v0, v9;
	v10 =	vld [tilespmem:s0+$0x0];
	_ =	sdelay $0x1  }
0x3e: {  	v12 =	vadd.s32 $0x40, v8  }
0x3f: {  	v13 =	vshll.u32 v12, $0x3  }
0x40: {  	v12 =	vand.u32 $0x7F, v12;
	v13 =	vand.u32 $0xFFFFFC00, v13  }
0x41: {  	[tilespmem:v11+s13+$0x0] =	vst.idx.msk $0xffff, v10;
	v10 =	vor.u32 v12, v13  }
0x42: {  	v11 =	vld [tilespmem:s0+$0x2000];
	v12 =	vadd.s32 v0, v10;
	_ =	sdelay $0x4  }
0x43: {  	[tilespmem:v12+s13+$0x0] =	vst.idx.msk $0xffff, v11  }
0x44: {  	v52 =	vadd.s32 v1, v9;
	v11 =	vld [tilespmem:s0+$0x10];
	_ =	sdelay $0x4  }
0x45: {  	[tilespmem:v52+s13+$0x0] =	vst.idx.msk $0xffff, v11  }
0x46: {  	v53 =	vadd.s32 v1, v10;
	v11 =	vld [tilespmem:s0+$0x2010];
	_ =	sdelay $0x4  }
0x47: {  	[tilespmem:v53+s13+$0x0] =	vst.idx.msk $0xffff, v11  }
0x48: {  	v54 =	vadd.s32 v2, v9;
	v11 =	vld [tilespmem:s0+$0x20];
	_ =	sdelay $0x4  }
0x49: {  	[tilespmem:v54+s13+$0x0] =	vst.idx.msk $0xffff, v11  }
0x4a: {  	v55 =	vadd.s32 v2, v10;
	v11 =	vld [tilespmem:s0+$0x2020];
	_ =	sdelay $0x4  }
0x4b: {  	[tilespmem:v55+s13+$0x0] =	vst.idx.msk $0xffff, v11  }
0x4c: {  	v56 =	vadd.s32 v3, v9;
	v11 =	vld [tilespmem:s0+$0x30];
	_ =	sdelay $0x4  }
0x4d: {  	[tilespmem:v56+s13+$0x0] =	vst.idx.msk $0xffff, v11  }
0x4e: {  	v57 =	vadd.s32 v3, v10;
	v11 =	vld [tilespmem:s0+$0x2030];
	_ =	sdelay $0x4  }
0x4f: {  	[tilespmem:v57+s13+$0x0] =	vst.idx.msk $0xffff, v11  }
0x50: {  	v58 =	vadd.s32 v4, v9;
	v11 =	vld [tilespmem:s0+$0x40];
	_ =	sdelay $0x4  }
0x51: {  	[tilespmem:v58+s13+$0x0] =	vst.idx.msk $0xffff, v11  }
0x52: {  	v59 =	vadd.s32 v4, v10;
	v11 =	vld [tilespmem:s0+$0x2040];
	_ =	sdelay $0x4  }
0x53: {  	[tilespmem:v59+s13+$0x0] =	vst.idx.msk $0xffff, v11  }
0x54: {  	v60 =	vadd.s32 v5, v9;
	v11 =	vld [tilespmem:s0+$0x50];
	_ =	sdelay $0x4  }
0x55: {  	[tilespmem:v60+s13+$0x0] =	vst.idx.msk $0xffff, v11  }
0x56: {  	v61 =	vadd.s32 v5, v10;
	v11 =	vld [tilespmem:s0+$0x2050];
	_ =	sdelay $0x4  }
0x57: {  	[tilespmem:v61+s13+$0x0] =	vst.idx.msk $0xffff, v11  }
0x58: {  	v62 =	vadd.s32 v6, v9;
	v11 =	vld [tilespmem:s0+$0x60];
	_ =	sdelay $0x4  }
0x59: {  	[tilespmem:v62+s13+$0x0] =	vst.idx.msk $0xffff, v11  }
0x5a: {  	v63 =	vadd.s32 v6, v10;
	v11 =	vld [tilespmem:s0+$0x2060];
	_ =	sdelay $0x4  }
0x5b: {  	[tilespmem:v63+s13+$0x0] =	vst.idx.msk $0xffff, v11  }
0x5c: {  	v9 =	vadd.s32 v7, v9;
	v11 =	vld [tilespmem:s0+$0x70];
	_ =	sdelay $0x4  }
0x5d: {  	[tilespmem:v9+s13+$0x0] =	vst.idx.msk $0xffff, v11  }
0x5e: {  	v10 =	vadd.s32 v7, v10;
	v11 =	vld [tilespmem:s0+$0x2070];
	_ =	sdelay $0x1  }
0x5f: {  	v8 =	vadd.s32 $0x1, v8  }
0x60: {  	s31 =	simm.s32 $0x400;
	s7 =	simm.s32 $0x200;
	v9 =	vshll.u32 v8, $0x3  }
.LBB2_3:
0x61: {  	p0 =	sne.s32 s31, $0x7E00;
	v12 =	vand.u32 $0x7F, v8;
	v9 =	vand.u32 $0xFFFFFC00, v9  }
0x62: {  	s0 =	sshra.s32 s7, $0x2;
	s7 =	smov.u32 s31;
	v9 =	vor.u32 v12, v9;
	[tilespmem:v10+s13+$0x0] =	vst.idx.msk $0xffff, v11  }
0x63: {  	v10 =	vld [tilespmem:s0+$0x0];
	v11 =	vadd.s32 v0, v9;
	_ =	sdelay $0x1  }
0x64: {  	v12 =	vadd.s32 $0x40, v8  }
0x65: {  	v13 =	vshll.u32 v12, $0x3  }
0x66: {  	v12 =	vand.u32 $0x7F, v12;
	v13 =	vand.u32 $0xFFFFFC00, v13  }
0x67: {  	[tilespmem:v11+s13+$0x0] =	vst.idx.msk $0xffff, v10;
	v10 =	vor.u32 v12, v13  }
0x68: {  	v11 =	vld [tilespmem:s0+$0x2000];
	v12 =	vadd.s32 v0, v10;
	_ =	sdelay $0x4  }
0x69: {  	[tilespmem:v12+s13+$0x0] =	vst.idx.msk $0xffff, v11  }
0x6a: {  	v12 =	vadd.s32 v1, v9;
	v11 =	vld [tilespmem:s0+$0x10];
	_ =	sdelay $0x4  }
0x6b: {  	[tilespmem:v12+s13+$0x0] =	vst.idx.msk $0xffff, v11  }
0x6c: {  	v12 =	vadd.s32 v1, v10;
	v11 =	vld [tilespmem:s0+$0x2010];
	_ =	sdelay $0x4  }
0x6d: {  	[tilespmem:v12+s13+$0x0] =	vst.idx.msk $0xffff, v11  }
0x6e: {  	v12 =	vadd.s32 v2, v9;
	v11 =	vld [tilespmem:s0+$0x20];
	_ =	sdelay $0x4  }
0x6f: {  	[tilespmem:v12+s13+$0x0] =	vst.idx.msk $0xffff, v11  }
0x70: {  	v12 =	vadd.s32 v2, v10;
	v11 =	vld [tilespmem:s0+$0x2020];
	_ =	sdelay $0x4  }
0x71: {  	[tilespmem:v12+s13+$0x0] =	vst.idx.msk $0xffff, v11  }
0x72: {  	v12 =	vadd.s32 v3, v9;
	v11 =	vld [tilespmem:s0+$0x30];
	_ =	sdelay $0x4  }
0x73: {  	[tilespmem:v12+s13+$0x0] =	vst.idx.msk $0xffff, v11  }
0x74: {  	v12 =	vadd.s32 v3, v10;
	v11 =	vld [tilespmem:s0+$0x2030];
	_ =	sdelay $0x4  }
0x75: {  	[tilespmem:v12+s13+$0x0] =	vst.idx.msk $0xffff, v11  }
0x76: {  	v12 =	vadd.s32 v4, v9;
	v11 =	vld [tilespmem:s0+$0x40];
	_ =	sdelay $0x4  }
0x77: {  	[tilespmem:v12+s13+$0x0] =	vst.idx.msk $0xffff, v11  }
0x78: {  	v12 =	vadd.s32 v4, v10;
	v11 =	vld [tilespmem:s0+$0x2040];
	_ =	sdelay $0x4  }
0x79: {  	[tilespmem:v12+s13+$0x0] =	vst.idx.msk $0xffff, v11  }
0x7a: {  	v12 =	vadd.s32 v5, v9;
	v11 =	vld [tilespmem:s0+$0x50];
	_ =	sdelay $0x4  }
0x7b: {  	[tilespmem:v12+s13+$0x0] =	vst.idx.msk $0xffff, v11  }
0x7c: {  	v12 =	vadd.s32 v5, v10;
	v11 =	vld [tilespmem:s0+$0x2050];
	_ =	sdelay $0x4  }
0x7d: {  	[tilespmem:v12+s13+$0x0] =	vst.idx.msk $0xffff, v11  }
0x7e: {  	v12 =	vadd.s32 v6, v9;
	v11 =	vld [tilespmem:s0+$0x60];
	_ =	sdelay $0x4  }
0x7f: {  	[tilespmem:v12+s13+$0x0] =	vst.idx.msk $0xffff, v11  }
0x80: {  	v12 =	vadd.s32 v6, v10;
	v11 =	vld [tilespmem:s0+$0x2060];
	_ =	sdelay $0x4  }
0x81: {  	[tilespmem:v12+s13+$0x0] =	vst.idx.msk $0xffff, v11  }
0x82: {  	v9 =	vadd.s32 v7, v9;
	v11 =	vld [tilespmem:s0+$0x70];
	_ =	sdelay $0x4  }
.Ltmp0:
0x83: {  	[tilespmem:v9+s13+$0x0] =	vst.idx.msk $0xffff, v11;
	(pc) =	sbr.rel @p0 .LBB2_3-.Ltmp0, $3  }
0x84: {  	v10 =	vadd.s32 v7, v10;
	v11 =	vld [tilespmem:s0+$0x2070];
	_ =	sdelay $0x1  }
0x85: {  	v8 =	vadd.s32 $0x1, v8  }
0x86: {  	s31 =	sadd.s32 $0x200, s31;
	v9 =	vshll.u32 v8, $0x3  }
0x87: {  	_ =	sdelay $0x2  }
0x88: {  	v12 =	vand.u32 $0x7F, v8;
	v9 =	vand.u32 $0xFFFFFC00, v9  }
0x89: {  	s0 =	sshra.s32 s7, $0x2;
	v9 =	vor.u32 v12, v9;
	[tilespmem:v10+s13+$0x0] =	vst.idx.msk $0xffff, v11  }
0x8a: {  	v10 =	vld [tilespmem:s0+$0x0];
	v49 =	vadd.s32 v0, v9;
	_ =	sdelay $0x1  }
0x8b: {  	v8 =	vadd.s32 $0x40, v8  }
0x8c: {  	v50 =	vshll.u32 v8, $0x3  }
0x8d: {  	v8 =	vand.u32 $0x7F, v8;
	v12 =	vand.u32 $0xFFFFFC00, v50  }
0x8e: {  	v8 =	vor.u32 v8, v12;
	[tilespmem:v49+s13+$0x0] =	vst.idx.msk $0xffff, v10  }
0x8f: {  	v51 =	vadd.s32 v0, v8;
	v10 =	vld [tilespmem:s0+$0x2000];
	_ =	sdelay $0x4  }
0x90: {  	[tilespmem:v51+s13+$0x0] =	vst.idx.msk $0xffff, v10  }
0x91: {  	v52 =	vadd.s32 v1, v9;
	v10 =	vld [tilespmem:s0+$0x10];
	_ =	sdelay $0x4  }
0x92: {  	[tilespmem:v52+s13+$0x0] =	vst.idx.msk $0xffff, v10  }
0x93: {  	v53 =	vadd.s32 v1, v8;
	v10 =	vld [tilespmem:s0+$0x2010];
	_ =	sdelay $0x4  }
0x94: {  	[tilespmem:v53+s13+$0x0] =	vst.idx.msk $0xffff, v10  }
0x95: {  	v54 =	vadd.s32 v2, v9;
	v10 =	vld [tilespmem:s0+$0x20];
	_ =	sdelay $0x4  }
0x96: {  	[tilespmem:v54+s13+$0x0] =	vst.idx.msk $0xffff, v10  }
0x97: {  	v55 =	vadd.s32 v2, v8;
	v10 =	vld [tilespmem:s0+$0x2020];
	_ =	sdelay $0x4  }
0x98: {  	[tilespmem:v55+s13+$0x0] =	vst.idx.msk $0xffff, v10  }
0x99: {  	v56 =	vadd.s32 v3, v9;
	v10 =	vld [tilespmem:s0+$0x30];
	_ =	sdelay $0x4  }
0x9a: {  	[tilespmem:v56+s13+$0x0] =	vst.idx.msk $0xffff, v10  }
0x9b: {  	v57 =	vadd.s32 v3, v8;
	v10 =	vld [tilespmem:s0+$0x2030];
	_ =	sdelay $0x4  }
0x9c: {  	[tilespmem:v57+s13+$0x0] =	vst.idx.msk $0xffff, v10  }
0x9d: {  	v58 =	vadd.s32 v4, v9;
	v10 =	vld [tilespmem:s0+$0x40];
	_ =	sdelay $0x4  }
0x9e: {  	[tilespmem:v58+s13+$0x0] =	vst.idx.msk $0xffff, v10  }
0x9f: {  	v59 =	vadd.s32 v4, v8;
	v10 =	vld [tilespmem:s0+$0x2040];
	_ =	sdelay $0x4  }
0xa0: {  	[tilespmem:v59+s13+$0x0] =	vst.idx.msk $0xffff, v10  }
0xa1: {  	v60 =	vadd.s32 v5, v9;
	v10 =	vld [tilespmem:s0+$0x50];
	_ =	sdelay $0x4  }
0xa2: {  	[tilespmem:v60+s13+$0x0] =	vst.idx.msk $0xffff, v10  }
0xa3: {  	v61 =	vadd.s32 v5, v8;
	v10 =	vld [tilespmem:s0+$0x2050];
	_ =	sdelay $0x4  }
0xa4: {  	[tilespmem:v61+s13+$0x0] =	vst.idx.msk $0xffff, v10  }
0xa5: {  	v62 =	vadd.s32 v6, v9;
	v10 =	vld [tilespmem:s0+$0x60];
	_ =	sdelay $0x4  }
0xa6: {  	[tilespmem:v62+s13+$0x0] =	vst.idx.msk $0xffff, v10  }
0xa7: {  	v63 =	vadd.s32 v6, v8;
	v10 =	vld [tilespmem:s0+$0x2060];
	_ =	sdelay $0x4  }
0xa8: {  	[tilespmem:v63+s13+$0x0] =	vst.idx.msk $0xffff, v10  }
0xa9: {  	v9 =	vadd.s32 v7, v9;
	v10 =	vld [tilespmem:s0+$0x70];
	_ =	sdelay $0x4  }
0xaa: {  	[tilespmem:v9+s13+$0x0] =	vst.idx.msk $0xffff, v10  }
0xab: {  	v8 =	vadd.s32 v7, v8;
	v9 =	vld [tilespmem:s0+$0x2070];
	_ =	sdelay $0x3  }
0xac: {  	s3 =	sshll.u32 s3, $0x4  }
0xad: {  	s0 =	sadd.s32 s4, s3;
	[tilespmem:v8+s13+$0x0] =	vst.idx.msk $0xffff, v9  }
0xae: {  	[hbm4b:s0+s2] =	stream.linear.scatter [tilespmem:s13], [sflag:$0x2], $0x400, $0x38;
	[tilespmem:$0xC000] =	vst v63  }
0xaf: {  	s7 =	sadd.s32 $0x80, s0  }
0xb0: {  	[hbm4b:s7+s2] =	stream.linear.scatter [tilespmem:s14], [sflag:$0x2], $0x400, $0x38;
	[tilespmem:$0xC000] =	vst v63  }
0xb1: {  	s31 =	sadd.s32 $0x100, s0  }
0xb2: {  	[hbm4b:s31+s2] =	stream.linear.scatter [tilespmem:s15], [sflag:$0x2], $0x400, $0x38;
	[tilespmem:$0xC000] =	vst v63  }
0xb3: {  	s7 =	sadd.s32 $0x180, s0  }
0xb4: {  	[hbm4b:s7+s2] =	stream.linear.scatter [tilespmem:s16], [sflag:$0x2], $0x400, $0x38;
	[tilespmem:$0xC000] =	vst v63  }
0xb5: {  	s31 =	sadd.s32 $0x200, s0  }
0xb6: {  	[hbm4b:s31+s2] =	stream.linear.scatter [tilespmem:s17], [sflag:$0x2], $0x400, $0x38;
	[tilespmem:$0xC000] =	vst v63  }
0xb7: {  	s7 =	sadd.s32 $0x280, s0  }
0xb8: {  	[hbm4b:s7+s2] =	stream.linear.scatter [tilespmem:s18], [sflag:$0x2], $0x400, $0x38;
	[tilespmem:$0xC000] =	vst v63  }
0xb9: {  	s31 =	sadd.s32 $0x300, s0  }
0xba: {  	[hbm4b:s31+s2] =	stream.linear.scatter [tilespmem:s19], [sflag:$0x2], $0x400, $0x38;
	[tilespmem:$0xC000] =	vst v63  }
0xbb: {  	s7 =	sadd.s32 $0x380, s0  }
0xbc: {  	[hbm4b:s7+s2] =	stream.linear.scatter [tilespmem:s20], [sflag:$0x2], $0x400, $0x38;
	[tilespmem:$0xC000] =	vst v63  }
0xbd: {  	s31 =	sadd.s32 $0x400, s0  }
0xbe: {  	[hbm4b:s31+s2] =	stream.linear.scatter [tilespmem:s21], [sflag:$0x2], $0x400, $0x38;
	[tilespmem:$0xC000] =	vst v63  }
0xbf: {  	s7 =	sadd.s32 $0x480, s0  }
0xc0: {  	[hbm4b:s7+s2] =	stream.linear.scatter [tilespmem:s22], [sflag:$0x2], $0x400, $0x38;
	[tilespmem:$0xC000] =	vst v63  }
0xc1: {  	s31 =	sadd.s32 $0x500, s0  }
0xc2: {  	[hbm4b:s31+s2] =	stream.linear.scatter [tilespmem:s23], [sflag:$0x2], $0x400, $0x38;
	[tilespmem:$0xC000] =	vst v63  }
0xc3: {  	s7 =	sadd.s32 $0x580, s0  }
0xc4: {  	[hbm4b:s7+s2] =	stream.linear.scatter [tilespmem:s24], [sflag:$0x2], $0x400, $0x38;
	[tilespmem:$0xC000] =	vst v63  }
0xc5: {  	s31 =	sadd.s32 $0x600, s0  }
0xc6: {  	[hbm4b:s31+s2] =	stream.linear.scatter [tilespmem:s25], [sflag:$0x2], $0x400, $0x38;
	[tilespmem:$0xC000] =	vst v63  }
0xc7: {  	s1 =	sadd.s32 $0x1, s1;
	s7 =	sadd.s32 $0x680, s0  }
0xc8: {  	[hbm4b:s7+s2] =	stream.linear.scatter [tilespmem:s26], [sflag:$0x2], $0x400, $0x38;
	[tilespmem:$0xC000] =	vst v63  }
0xc9: {  	p0 =	sne.s32 s1, s5;
	s31 =	sadd.s32 $0x700, s0  }
0xca: {  	[hbm4b:s31+s2] =	stream.linear.scatter [tilespmem:s28], [sflag:$0x2], $0x400, $0x38;
	[tilespmem:$0xC000] =	vst v63  }
.Ltmp1:
0xcb: {  	s0 =	sadd.s32 $0x780, s0;
	(pc) =	sbr.rel @p0 .LBB2_2-.Ltmp1, $4  }
0xcc: {  	[hbm4b:s0+s2] =	stream.linear.scatter [tilespmem:s29], [sflag:$0x2], $0x400, $0x38;
	[tilespmem:$0xC000] =	vst v63  }
0xcd: {  	_ =	swait.ge [sflag:s30], $0x4000  }
0xce: {  	[sflag:s30] =	ssyncset.done $0x0  }
0xcf: {  	[sflag:s30] =	ssyncadd.s32 $0xFFFFC000  }
0xd0: {  	s1 =	rddreg [dreg:$0x4]  }
0xd1: {  	s0 =	rddreg [dreg:$0x3];
	s1 =	sadd.s32 $0x1, s1  }
0xd2: {  	p0 =	sne.s32 s1, s0  }
.Ltmp2:
0xd3: {  	_ = 	snop;
	(pc) =	sbr.rel @p0 .LBB2_1-.Ltmp2, $1  }
0xd4: {  	_ =	sdelay $0x3  }
0xd5: {  	_ =	sfence.sel $0x180000  }
0xd6: {  	[bflag:$0x0] =	sbarrier.arrive $0xFFFF  }
0xd7: {  	_ =	strace $0x90000047  }
0xd8: {  	s0 =	stileid.u32;
	[bflag:$0x2] =	sbarrier.arrive $0xFFFF  }
0xd9: {  	p0 =	sne.s32 s0, $0x0;
	s0 =	rddreg [dreg:$0x2]  }
0xda: {  	s0 =	sadd.s32 @!p0 $0x100000, s0  }
0xdb: {  	[sflag:s0] =	ssyncadd.tile.s32 @!p0 $0x1;
	_ =	shalt  }
.Lfunc_end2:
_tile_overlayer_lowered:
.L_overlay_start_2:
0xdc: {  	(tag) =	ssettag $0x2  }
0xdd: {  	s0 =	rddreg [dreg:$0x0];
	s2 =	stileid.u32  }
0xde: {  	s1 =	rddreg [dreg:$0x1];
	p0 =	sne.s32 s2, $0x0  }
0xdf: {  	s3 =	rddreg [dreg:$0x2];
	[bflag:$0x3] =	sbarrier.arrive $0xFFFF;
	s2 =	simm.s32 @!p0 $0x1C02  }
0xe0: {  	[timem:s3], [sflag:s2] =	dma.local @!p0 [hbm:s0], s1  }
0xe1: {  	s0 =	simm.s32 @!p0 $0x2  }
0xe2: {  	_ =	swait.ge @!p0 [sflag:s0], s1  }
0xe3: {  	s1 =	ssub.s32 @!p0 $0x0, s1;
	[sflag:s0] =	ssyncset.done @!p0 $0x0  }
0xe4: {  	[sflag:s0] =	ssyncadd.s32 @!p0 s1  }
0xe5: {  	[bflag:$0x3] =	sbarrier.arrive $0xFFFF  }
0xe6: {  	_ =	shalt  }

// kernel: kernel.7.cloned.1.call-start
scs
__scs_entry_jumppad:
0x0: {  	(pc) =	sbr.rel $0x88, $3  }
0x1: {  	(tag) =	ssettag $0x0;
	lr =	simm.s32 $0x1  }
0x2: {  	[smem:$0x3F9F] =	sst lr;
	_ =	strace $0xD0000000  }
0x3: {  	_ = 	snop  }
0x4: {  	_ = 	snop  }
0x5: {  	_ = 	snop  }
0x6: {  	_ = 	snop  }
0x7: {  	_ = 	snop  }
__scs_overlays_trampoline_lowered:
0x8: {  	[smem:$0x3FAE] =	sst s0  }
0x9: {  	[smem:$0x3FAF] =	sst s1  }
0xa: {  	[smem:$0x3FB0] =	sst s2  }
0xb: {  	[smem:$0x3FB1] =	sst s3  }
0xc: {  	[smem:$0x3FB2] =	sst s4  }
0xd: {  	[smem:$0x3FB3] =	sst s5  }
0xe: {  	[smem:$0x3FB4] =	sst s6  }
0xf: {  	[smem:$0x3FB5] =	sst s7  }
0x10: {  	[smem:$0x3FB6] =	sst s8  }
0x11: {  	[smem:$0x3FB7] =	sst s9;
	s0 =	simm.s32 @!p0 $0x0  }
0x12: {  	s1 =	sld [smem:$0x3F9D];
	s0 =	simm.s32 @p0 $0x1  }
0x13: {  	[smem:$0x3FB8] =	sst s0;
	s0 =	simm.s32 @!p1 $0x0  }
0x14: {  	s2 =	sld [smem:$0x3F9C];
	s0 =	simm.s32 @p1 $0x1  }
0x15: {  	[smem:$0x3FB9] =	sst s0;
	s0 =	simm.s32 @!p2 $0x0  }
0x16: {  	s3 =	sld [smem:$0x3FDB];
	s0 =	simm.s32 @p2 $0x1  }
0x17: {  	s4 =	simm.s32 $0x1BF5;
	[smem:$0x3FBB] =	sst s0  }
0x18: {  	s0 =	sld [smem:$0x3F9E];
	_ =	swait.ge [sflag:s4], $0x0  }
0x19: {  	s7 =	sld [smem:$0x3F9F]  }
0x1a: {  	s8 =	sadd.s32 $0xFFFFE003, lr  }
0x1b: {  	s9 =	sadd.s32 $0xFFFFFEF7, lr;
	s5 =	simm.s32 $0xFFFFFFFF;
	p2 =	slt.u32 s8, $0xFFFFF086  }
0x1c: {  	p1 =	slt.u32 s9, $0xF7A;
	s5 =	simm.s32 @!p2 $0x0  }
0x1d: {  	s5 =	simm.s32 @p1 $0x1;
	p0 =	seq.s32 s7, s2  }
0x1e: {  	s7 =	smul.u32 @!p0 $0xF7A, s2;
	p2 =	seq.s32 @!p0 s5, $0x0  }
0x1f: {  	s9 =	smul.u32 $0xF7A, s1;
	s8 =	simm.s32 @!p0 $0x1BF5;
	p2 =	por !p2, p0  }
0x20: {  	[sflag:s8] =	ssyncset.s32 @!p0 $0xFFFFF086;
	s6 =	sadd.s32 @!p0 s3, s7;
	s7 =	simm.s32 @!p0 $0x108  }
0x21: {  	s3 =	sadd.s32 s3, s9;
	s6 =	sadd.s32 @!p0 $0x88, s6;
	s7 =	simm.s32 @p2 $0x1082  }
0x22: {  	[simem:s7], [sflag:s8] =	dma.local @!p0 [hbm:s6], $0xF7A  }
0x23: {  	s9 =	sor.u32 $0xD0000000, s2;
	s6 =	simm.s32 $0x108;
	_ =	swait.ge @!p0 [sflag:s8], $0x0  }
0x24: {  	s3 =	sadd.s32 $0x88, s3;
	s6 =	simm.s32 @!p1 $0x1082;
	[sflag:s4] =	ssyncset.s32 $0xFFFFF086  }
0x25: {  	[simem:s6], [sflag:s4] =	dma.local [hbm:s3], $0xF7A  }
0x26: {  	[smem:$0x3F9F] =	sst s1;
	(tag) =	ssettag s2;
	_ =	strace s9  }
0x27: {  	s1 =	sld [smem:$0x3FAF]  }
0x28: {  	s2 =	sld [smem:$0x3FB0]  }
0x29: {  	s4 =	sld [smem:$0x3FB2]  }
0x2a: {  	p0 =	seq.s32 s5, $0x0;
	s5 =	sld [smem:$0x3FB3]  }
0x2b: {  	s6 =	sld [smem:$0x3FB4]  }
0x2c: {  	s7 =	sld [smem:$0x3FB5]  }
0x2d: {  	s3 =	simm.s32 $0x108;
	s8 =	sld [smem:$0x3FB6]  }
0x2e: {  	s3 =	simm.s32 @!p0 $0x1082;
	s9 =	sld [smem:$0x3FB7]  }
0x2f: {  	lr =	sadd.s32 s0, s3;
	s0 =	sld [smem:$0x3FAE]  }
0x30: {  	s3 =	sld [smem:$0x3FB1]  }
0x31: {  	[smem:$0x3FBA] =	sst s10  }
0x32: {  	s10 =	sld [smem:$0x3FB8];
	_ =	sdelay $0x3  }
0x33: {  	p0 =	seq.s32 s10, $0x1;
	s10 =	sld [smem:$0x3FBA];
	_ =	sdelay $0x3  }
0x34: {  	[smem:$0x3FBA] =	sst s10  }
0x35: {  	s10 =	sld [smem:$0x3FB9];
	_ =	sdelay $0x3  }
0x36: {  	p1 =	seq.s32 s10, $0x1;
	s10 =	sld [smem:$0x3FBA];
	_ =	sdelay $0x3  }
0x37: {  	[smem:$0x3FBA] =	sst s10  }
0x38: {  	s10 =	sld [smem:$0x3FBB]  }
0x39: {  	_ = 	snop;
	(pc) =	sbr.ind lr, $3  }
0x3a: {  	_ = 	snop  }
0x3b: {  	_ = 	snop  }
0x3c: {  	p2 =	seq.s32 s10, $0x1;
	s10 =	sld [smem:$0x3FBA]  }
0x3d: {  	_ =	shalt  }
0x3e: {  	_ =	shalt  }
0x3f: {  	_ =	shalt  }
0x40: {  	_ =	shalt  }
0x41: {  	_ =	shalt  }
0x42: {  	_ =	shalt  }
0x43: {  	_ =	shalt  }
0x44: {  	_ =	shalt  }
0x45: {  	_ =	shalt  }
0x46: {  	_ =	shalt  }
0x47: {  	_ =	shalt  }
0x48: {  	_ =	shalt  }
0x49: {  	_ =	shalt  }
0x4a: {  	_ =	shalt  }
0x4b: {  	_ =	shalt  }
0x4c: {  	_ =	shalt  }
0x4d: {  	_ =	shalt  }
0x4e: {  	_ =	shalt  }
0x4f: {  	_ =	shalt  }
0x50: {  	_ =	shalt  }
0x51: {  	_ =	shalt  }
0x52: {  	_ =	shalt  }
0x53: {  	_ =	shalt  }
0x54: {  	_ =	shalt  }
0x55: {  	_ =	shalt  }
0x56: {  	_ =	shalt  }
0x57: {  	_ =	shalt  }
0x58: {  	_ =	shalt  }
0x59: {  	_ =	shalt  }
0x5a: {  	_ =	shalt  }
0x5b: {  	_ =	shalt  }
0x5c: {  	_ =	shalt  }
0x5d: {  	_ =	shalt  }
0x5e: {  	_ =	shalt  }
0x5f: {  	_ =	shalt  }
0x60: {  	_ =	shalt  }
0x61: {  	_ =	shalt  }
0x62: {  	_ =	shalt  }
0x63: {  	_ =	shalt  }
0x64: {  	_ =	shalt  }
0x65: {  	_ =	shalt  }
0x66: {  	_ =	shalt  }
0x67: {  	_ =	shalt  }
0x68: {  	_ =	shalt  }
0x69: {  	_ =	shalt  }
0x6a: {  	_ =	shalt  }
0x6b: {  	_ =	shalt  }
0x6c: {  	_ =	shalt  }
0x6d: {  	_ =	shalt  }
0x6e: {  	_ =	shalt  }
0x6f: {  	_ =	shalt  }
0x70: {  	_ =	shalt  }
0x71: {  	_ =	shalt  }
0x72: {  	_ =	shalt  }
0x73: {  	_ =	shalt  }
0x74: {  	_ =	shalt  }
0x75: {  	_ =	shalt  }
0x76: {  	_ =	shalt  }
0x77: {  	_ =	shalt  }
0x78: {  	_ =	shalt  }
0x79: {  	_ =	shalt  }
0x7a: {  	_ =	shalt  }
0x7b: {  	_ =	shalt  }
0x7c: {  	_ =	shalt  }
0x7d: {  	_ =	shalt  }
0x7e: {  	_ =	shalt  }
0x7f: {  	_ =	shalt  }
0x80: {  	_ =	shalt  }
0x81: {  	_ =	shalt  }
0x82: {  	_ =	shalt  }
0x83: {  	_ =	shalt  }
0x84: {  	_ =	shalt  }
0x85: {  	_ =	shalt  }
0x86: {  	_ =	shalt  }
0x87: {  	_ =	shalt  }
.Lfunc_end0:
.L_simem_size_0:
called_computation.2_lowered:
.L_overlay_start_0:
0x88: {  	s2 =	sld [smem:$0x3FD9]  }
0x89: {  	s3 =	sld [smem:$0x3FFE];
	_ =	sdelay $0x1  }
0x8a: {  	s1 =	srdreg.scid  }
0x8b: {  	s0 =	sand.u32 $0x1, s1  }
0x8c: {  	s17 =	sshll.u32 s0, $0xA;
	s2 =	sadd.s32 s3, s2  }
0x8d: {  	s2 =	sadd.s32 s2, s17  }
0x8e: {  	[smem:$0x3FC6] =	sst s2  }
0x8f: {  	_ = 	snop  }
0x90: {  	s2 =	sld [smem:$0x3FD0];
	(tm) =	ssettm $0x1  }
0x91: {  	s18 =	sld [smem:$0x3FFB];
	_ =	sdelay $0x3  }
0x92: {  	_ =	strace s18  }
0x93: {  	s3 =	sld [smem:$0x3FFC];
	_ =	sdelay $0x3  }
0x94: {  	_ =	strace s3  }
0x95: {  	s3 =	sld [smem:$0x3FFD];
	_ =	sdelay $0x3  }
0x96: {  	_ =	strace s3  }
0x97: {  	_ =	strace $0x8FFFFFFF  }
0x98: {  	s19 =	sld [smem:$0x3FDB];
	_ =	sdelay $0x1  }
0x99: {  	s4 =	simm.s32 $_scs_section_size  }
0x9a: {  	s5 =	simm.s32 $_size__tile_overlayer_lowered;
	s6 =	simm.s32 $_tile_overlayer_lowered  }
0x9b: {  	s22 =	simm.s32 $0x1BFF;
	s21 =	sshll.u32 s6, $0x1;
	s3 =	sadd.s32 s4, s19  }
0x9c: {  	s7 =	simm.s32 $0x0;
	s20 =	sshll.u32 s5, $0x1;
	s5 =	sadd.s32 s21, s3  }
0x9d: {  	[timem:s7], [sflag:s22] =	dma.local [hbm:s5], s20  }
0x9e: {  	_ =	swait.ge [sflag:s22], s20  }
0x9f: {  	s4 =	ssub.s32 $0x0, s20;
	[sflag:s22] =	ssyncset.done $0x0  }
0xa0: {  	[sflag:s22] =	ssyncadd.s32 s4;
	_ =	sdelay $0x1  }
0xa1: {  	s23 =	simm.s32 $0x1B8B  }
0xa2: {  	_ =	swait.ge [sflag:s23], $0x1  }
0xa3: {  	[sflag:s23] =	ssyncset.done $0x0  }
0xa4: {  	s25 =	simm.s32 $0x1B8E;
	s24 =	sld [smem:$0x3FFE];
	[sflag:s23] =	ssyncadd.s32 $0xFFFFFFFF  }
0xa5: {  	s26 =	simm.s32 $execute0_lowered;
	[smem:$0x3FD2] =	sst s25  }
0xa6: {  	s5 =	sshll.u32 s26, $0x1;
	_ =	strace $0x80000049;
	[dreg:$0x1] =	wrdreg $0xFFFFFFFF  }
0xa7: {  	s28 =	simm.s32 $_size_execute0_lowered;
	s3 =	sadd.s32 s3, s5;
	[dreg:$0x0] =	wrdreg $0x0  }
0xa8: {  	s5 =	sshll.u32 s28, $0x1;
	[dreg:$0x2] =	wrdreg s3  }
0xa9: {  	[dreg:$0x3] =	wrdreg s5  }
0xaa: {  	[dreg:$0x4] =	wrdreg $0xC0  }
0xab: {  	_ =	task [dreg:s7], $0x5FFFF  }
0xac: {  	[dreg:$0x1] =	wrdreg $0xFFFFFFFF  }
0xad: {  	[dreg:$0x0] =	wrdreg $0x60  }
0xae: {  	[dreg:$0x2] =	wrdreg s24  }
0xaf: {  	[dreg:$0x3] =	wrdreg s2  }
0xb0: {  	[dreg:$0x4] =	wrdreg $0x9  }
0xb1: {  	_ =	task.clear_ibuf [dreg:s7], $0x5FFFF;
	_ =	strace $0x90000049  }
0xb2: {  	s29 =	simm.s32 $0x9;
	_ =	strace $0x8000004B  }
0xb3: {  	_ =	swait.ge [sflag:s29], $0x1  }
0xb4: {  	[sflag:s29] =	ssyncadd.s32 $0xFFFFFFFF  }
0xb5: {  	_ =	strace $0x9000004B  }
0xb6: {  	_ =	sfence  }
0xb7: {  	s30 =	sld [smem:$0x0];
	_ =	sdelay $0x2  }
0xb8: {  	s31 =	sshll.u32 s1, $0xD;
	s1 =	sshrl.u32 s1, $0x2  }
0xb9: {  	s3 =	sand.u32 $0x4000, s31;
	s1 =	sadd.s32 s1, s30  }
0xba: {  	s0 =	sor.u32 s3, s0;
	s1 =	sshll.u32 s1, $0x11  }
0xbb: {  	s0 =	sor.u32 s1, s0  }
0xbc: {  	s0 =	sadd.s32 $0x8F2B, s0  }
0xbd: {  	[sflag:s0] =	ssyncadd.remote.s32 $0x1  }
0xbe: {  	_ =	sfence.sel $0xFFFF  }
0xbf: {  	[dreg:$0x0] =	wrdreg $0xFFFFFFFF;
	(pc) =	sbr.abs _section_cstart, $3  }
0xc0: {  	[dreg:$0x1] =	wrdreg $0xFFFFFFFF  }
0xc1: {  	_ =	task.clear_ibuf [dreg:s7], $0x2FFFF;
	_ =	strace $0x9FFFFFFF  }
0xc2: {  	(tm) =	ssettm $0x7FFFFFFF  }
0xc3: {  	_ =	shalt  }
tec
execute0_lowered:
.L_overlay_start_1:
0x0: {  	(tag) =	ssettag $0x1  }
0x1: {  	s4 =	rddreg [dreg:$0x0]  }
0x2: {  	s5 =	rddreg [dreg:$0x1]  }
0x3: {  	s0 =	rddreg [dreg:$0x2]  }
0x4: {  	s3 =	srdreg.scid;
	s1 =	stileid.u32;
	s2 =	simm.s32 $0x0  }
0x5: {  	s11 =	simm.s32 $0x1;
	s12 =	simm.s32 $0x0;
	s6 =	sand.u32 $0x1, s3  }
0x6: {  	s29 =	sshll.u32 s1, $0x1;
	[smem:$0x7FF] =	sst s2;
	s9 =	smul.u32 $0x64000, s1  }
0x7: {  	s3 =	sor.u32 s6, s29;
	s8 =	ssub.s32 $0x2, s6;
	s6 =	smul.u32 $0x32000, s6  }
0x8: {  	_ =	strace $0x8000004A;
	s7 =	smul.u32 $0x6400, s3;
	s3 =	sadd.s32 $0xE00, s4  }
0x9: {  	s10 =	sshrl.u32 s8, $0x1;
	s31 =	sadd.s32 s9, s5;
	s9 =	simm.s32 $0x6400  }
0xa: {  	s30 =	ssub.s32 s8, s10;
	s6 =	sadd.s32 s6, s31;
	s7 =	sshrl.u32 s7, $0x3  }
0xb: {  	s8 =	simm.s32 $0x80;
	s10 =	simm.s32 $0x6480;
	s4 =	sadd.s32 s7, s4  }
0xc: {  	s5 =	smax.u32 s30, $0x1;
	s7 =	simm.s32 $0x2;
	s4 =	sadd.s32 $0x7A2E00, s4  }
.LBB2_1:
0xd: {  	[tilespmem:s2], [sflag:$0x2] =	stream.linear.gather [hbm4b:s4+s2], $0x6400, $0x38;
	[tilespmem:$0x8480] =	vst v63  }
0xe: {  	_ =	swait.ge [sflag:s7], $0x6400  }
0xf: {  	[sflag:s7] =	ssyncset.done $0x0  }
0x10: {  	s13 =	simm.s32 $0x40;
	[sflag:s7] =	ssyncadd.s32 $0xFFFF9C00  }
0x11: {  	v0 =	vld [tilespmem:s13+$0xFFFFFFC0];
	_ =	sdelay $0x4  }
0x12: {  	v1 =	vshll.u32 v0, $0x1  }
0x13: {  	vm0 =	vgt.s32 v0, $0x7A1FF;
	v49 =	vadd.s32 $0xFFF0BC01, v1  }
0x14: {  	v0 =	vsel vm0, v49, v1  }
0x15: {  	[tilespmem:$0x6400] =	vst v0  }
0x16: {  	v0 =	vld [tilespmem:s13+$0xFFFFFFD0];
	_ =	sdelay $0x4  }
0x17: {  	v50 =	vshll.u32 v0, $0x1  }
0x18: {  	vm9 =	vgt.s32 v0, $0x7A1FF;
	v51 =	vadd.s32 $0xFFF0BC01, v50  }
0x19: {  	v0 =	vsel vm9, v51, v50  }
0x1a: {  	[tilespmem:$0x6410] =	vst v0  }
0x1b: {  	v0 =	vld [tilespmem:s13+$0xFFFFFFE0];
	_ =	sdelay $0x4  }
0x1c: {  	v52 =	vshll.u32 v0, $0x1  }
0x1d: {  	vm10 =	vgt.s32 v0, $0x7A1FF;
	v53 =	vadd.s32 $0xFFF0BC01, v52  }
0x1e: {  	v0 =	vsel vm10, v53, v52  }
0x1f: {  	[tilespmem:$0x6420] =	vst v0  }
0x20: {  	v0 =	vld [tilespmem:s13+$0xFFFFFFF0];
	_ =	sdelay $0x4  }
0x21: {  	v54 =	vshll.u32 v0, $0x1  }
0x22: {  	vm11 =	vgt.s32 v0, $0x7A1FF;
	v55 =	vadd.s32 $0xFFF0BC01, v54  }
0x23: {  	v0 =	vsel vm11, v55, v54  }
0x24: {  	[tilespmem:$0x6430] =	vst v0  }
0x25: {  	v0 =	vld [tilespmem:s13+$0x0];
	_ =	sdelay $0x4  }
0x26: {  	v56 =	vshll.u32 v0, $0x1  }
0x27: {  	vm12 =	vgt.s32 v0, $0x7A1FF;
	v57 =	vadd.s32 $0xFFF0BC01, v56  }
0x28: {  	v0 =	vsel vm12, v57, v56  }
0x29: {  	[tilespmem:$0x6440] =	vst v0  }
0x2a: {  	v0 =	vld [tilespmem:s13+$0x10];
	_ =	sdelay $0x4  }
0x2b: {  	v58 =	vshll.u32 v0, $0x1  }
0x2c: {  	vm13 =	vgt.s32 v0, $0x7A1FF;
	v59 =	vadd.s32 $0xFFF0BC01, v58  }
0x2d: {  	v0 =	vsel vm13, v59, v58  }
0x2e: {  	[tilespmem:$0x6450] =	vst v0  }
0x2f: {  	v0 =	vld [tilespmem:s13+$0x20];
	_ =	sdelay $0x4  }
0x30: {  	v60 =	vshll.u32 v0, $0x1  }
0x31: {  	vm14 =	vgt.s32 v0, $0x7A1FF;
	v61 =	vadd.s32 $0xFFF0BC01, v60  }
0x32: {  	v0 =	vsel vm14, v61, v60  }
0x33: {  	[tilespmem:$0x6460] =	vst v0  }
0x34: {  	v0 =	vld [tilespmem:s13+$0x30];
	_ =	sdelay $0x4  }
0x35: {  	v62 =	vshll.u32 v0, $0x1  }
0x36: {  	vm15 =	vgt.s32 v0, $0x7A1FF;
	v63 =	vadd.s32 $0xFFF0BC01, v62  }
0x37: {  	v0 =	vsel vm15, v63, v62  }
0x38: {  	[tilespmem:$0x6470] =	vst v0  }
0x39: {  	[tilespmem:s10], [sflag:$0x1] =	stream.indirect.gather [hbm4b:s3+s8], $0x40, s9, s8, $0xb8;
	[tilespmem:$0x8480] =	vst v63  }
0x3a: {  	_ =	swait.ge [sflag:s11], $0x2000  }
0x3b: {  	[sflag:s11] =	ssyncset.done $0x0  }
0x3c: {  	s14 =	sadd.s32 $0x0, s6;
	[sflag:s11] =	ssyncadd.s32 $0xFFFFE000  }
0x3d: {  	[hbm4b:s14+s2] =	stream.linear.scatter [tilespmem:s10], [sflag:$0x2], $0x2000, $0x38;
	[tilespmem:$0x8480] =	vst v63  }
0x3e: {  	_ =	swait.ge [sflag:s7], $0x2000  }
0x3f: {  	s14 =	simm.s32 $0x400;
	[sflag:s7] =	ssyncset.done $0x0  }
.LBB2_2:
0x40: {  	p0 =	sne.s32 s14, $0x31C00;
	[sflag:s7] =	ssyncadd.s32 $0xFFFFE000;
	s13 =	sadd.s32 $0x80, s13  }
0x41: {  	s15 =	smov.u32 s14;
	s14 =	sadd.s32 $0x400, s14;
	v0 =	vld [tilespmem:s13+$0xFFFFFFC0];
	_ =	sdelay $0x4  }
0x42: {  	v1 =	vshll.u32 v0, $0x1  }
0x43: {  	vm0 =	vgt.s32 v0, $0x7A1FF;
	v0 =	vadd.s32 $0xFFF0BC01, v1  }
0x44: {  	v0 =	vsel vm0, v0, v1  }
0x45: {  	[tilespmem:$0x6400] =	vst v0  }
0x46: {  	v0 =	vld [tilespmem:s13+$0xFFFFFFD0];
	_ =	sdelay $0x4  }
0x47: {  	v1 =	vshll.u32 v0, $0x1  }
0x48: {  	vm0 =	vgt.s32 v0, $0x7A1FF;
	v0 =	vadd.s32 $0xFFF0BC01, v1  }
0x49: {  	v0 =	vsel vm0, v0, v1  }
0x4a: {  	[tilespmem:$0x6410] =	vst v0  }
0x4b: {  	v0 =	vld [tilespmem:s13+$0xFFFFFFE0];
	_ =	sdelay $0x4  }
0x4c: {  	v1 =	vshll.u32 v0, $0x1  }
0x4d: {  	vm0 =	vgt.s32 v0, $0x7A1FF;
	v0 =	vadd.s32 $0xFFF0BC01, v1  }
0x4e: {  	v0 =	vsel vm0, v0, v1  }
0x4f: {  	[tilespmem:$0x6420] =	vst v0  }
0x50: {  	v0 =	vld [tilespmem:s13+$0xFFFFFFF0];
	_ =	sdelay $0x4  }
0x51: {  	v1 =	vshll.u32 v0, $0x1  }
0x52: {  	vm0 =	vgt.s32 v0, $0x7A1FF;
	v0 =	vadd.s32 $0xFFF0BC01, v1  }
0x53: {  	v0 =	vsel vm0, v0, v1  }
0x54: {  	[tilespmem:$0x6430] =	vst v0  }
0x55: {  	v0 =	vld [tilespmem:s13+$0x0];
	_ =	sdelay $0x4  }
0x56: {  	v1 =	vshll.u32 v0, $0x1  }
0x57: {  	vm0 =	vgt.s32 v0, $0x7A1FF;
	v0 =	vadd.s32 $0xFFF0BC01, v1  }
0x58: {  	v0 =	vsel vm0, v0, v1  }
0x59: {  	[tilespmem:$0x6440] =	vst v0  }
0x5a: {  	v0 =	vld [tilespmem:s13+$0x10];
	_ =	sdelay $0x4  }
0x5b: {  	v1 =	vshll.u32 v0, $0x1  }
0x5c: {  	vm0 =	vgt.s32 v0, $0x7A1FF;
	v0 =	vadd.s32 $0xFFF0BC01, v1  }
0x5d: {  	v0 =	vsel vm0, v0, v1  }
0x5e: {  	[tilespmem:$0x6450] =	vst v0  }
0x5f: {  	v0 =	vld [tilespmem:s13+$0x20];
	_ =	sdelay $0x4  }
0x60: {  	v1 =	vshll.u32 v0, $0x1  }
0x61: {  	vm0 =	vgt.s32 v0, $0x7A1FF;
	v0 =	vadd.s32 $0xFFF0BC01, v1  }
0x62: {  	v0 =	vsel vm0, v0, v1  }
0x63: {  	[tilespmem:$0x6460] =	vst v0  }
0x64: {  	v0 =	vld [tilespmem:s13+$0x30];
	_ =	sdelay $0x4  }
0x65: {  	v1 =	vshll.u32 v0, $0x1  }
0x66: {  	vm0 =	vgt.s32 v0, $0x7A1FF;
	v0 =	vadd.s32 $0xFFF0BC01, v1  }
0x67: {  	v0 =	vsel vm0, v0, v1  }
0x68: {  	[tilespmem:$0x6470] =	vst v0  }
0x69: {  	[tilespmem:s10], [sflag:$0x1] =	stream.indirect.gather [hbm4b:s3+s8], $0x40, s9, s8, $0xb8;
	[tilespmem:$0x8480] =	vst v63  }
0x6a: {  	_ =	swait.ge [sflag:s11], $0x2000  }
.Ltmp0:
0x6b: {  	[sflag:s11] =	ssyncset.done $0x0;
	(pc) =	sbr.rel @p0 .LBB2_2-.Ltmp0, $4  }
0x6c: {  	s15 =	sadd.s32 s15, s6;
	[sflag:s11] =	ssyncadd.s32 $0xFFFFE000  }
0x6d: {  	[hbm4b:s15+s2] =	stream.linear.scatter [tilespmem:s10], [sflag:$0x2], $0x2000, $0x38;
	[tilespmem:$0x8480] =	vst v63  }
0x6e: {  	_ =	swait.ge [sflag:s7], $0x2000  }
0x6f: {  	[sflag:s7] =	ssyncset.done $0x0  }
0x70: {  	s12 =	sadd.s32 $0x1, s12  }
0x71: {  	p0 =	sne.s32 s12, s5  }
.Ltmp1:
0x72: {  	_ = 	snop;
	(pc) =	sbr.rel @p0 .LBB2_1-.Ltmp1, $2  }
0x73: {  	_ =	sdelay $0x2  }
0x74: {  	[sflag:s7] =	ssyncadd.s32 $0xFFFFE000  }
0x75: {  	_ =	sfence.sel $0x180000  }
0x76: {  	[bflag:$0x0] =	sbarrier.arrive $0xFFFF  }
0x77: {  	p0 =	sne.s32 s1, $0x0;
	_ =	strace $0x9000004A  }
0x78: {  	s0 =	sadd.s32 @!p0 $0x100000, s0;
	[bflag:$0x2] =	sbarrier.arrive $0xFFFF  }
0x79: {  	[sflag:s0] =	ssyncadd.tile.s32 @!p0 $0x1;
	_ =	shalt  }
.Lfunc_end2:
_tile_overlayer_lowered:
.L_overlay_start_2:
0x7a: {  	(tag) =	ssettag $0x2  }
0x7b: {  	s0 =	rddreg [dreg:$0x0];
	s2 =	stileid.u32  }
0x7c: {  	s1 =	rddreg [dreg:$0x1];
	p0 =	sne.s32 s2, $0x0  }
0x7d: {  	s3 =	rddreg [dreg:$0x2];
	[bflag:$0x3] =	sbarrier.arrive $0xFFFF;
	s2 =	simm.s32 @!p0 $0x1C02  }
0x7e: {  	[timem:s3], [sflag:s2] =	dma.local @!p0 [hbm:s0], s1  }
0x7f: {  	s0 =	simm.s32 @!p0 $0x2  }
0x80: {  	_ =	swait.ge @!p0 [sflag:s0], s1  }
0x81: {  	s1 =	ssub.s32 @!p0 $0x0, s1;
	[sflag:s0] =	ssyncset.done @!p0 $0x0  }
0x82: {  	[sflag:s0] =	ssyncadd.s32 @!p0 s1  }
0x83: {  	[bflag:$0x3] =	sbarrier.arrive $0xFFFF  }
0x84: {  	_ =	shalt  }

// kernel: sparse-core-data-format-call.cloned.1.call-start
scs
called_computation_lowered:
.L_overlay_start_0:
0x0: {  	s2 =	sld [smem:$0x3FD9]  }
0x1: {  	s3 =	sld [smem:$0x3FFE];
	_ =	sdelay $0x1  }
0x2: {  	s1 =	srdreg.scid  }
0x3: {  	s0 =	sand.u32 $0x1, s1  }
0x4: {  	s18 =	sshll.u32 s0, $0xA;
	s2 =	sadd.s32 s3, s2  }
0x5: {  	s2 =	sadd.s32 s2, s18  }
0x6: {  	[smem:$0x3FC6] =	sst s2  }
0x7: {  	_ = 	snop  }
0x8: {  	s2 =	sld [smem:$0x3FD0];
	(tm) =	ssettm $0x1  }
0x9: {  	s19 =	sld [smem:$0x3FFB];
	_ =	sdelay $0x3  }
0xa: {  	_ =	strace s19  }
0xb: {  	s3 =	sld [smem:$0x3FFC];
	_ =	sdelay $0x3  }
0xc: {  	_ =	strace s3  }
0xd: {  	s3 =	sld [smem:$0x3FFD];
	_ =	sdelay $0x3  }
0xe: {  	_ =	strace s3  }
0xf: {  	_ =	strace $0x8FFFFFFF  }
0x10: {  	s20 =	sld [smem:$0x3FDB];
	_ =	sdelay $0x1  }
0x11: {  	s4 =	simm.s32 $_scs_section_size  }
0x12: {  	s5 =	simm.s32 $_size__tile_overlayer_lowered;
	s6 =	simm.s32 $_tile_overlayer_lowered  }
0x13: {  	s23 =	simm.s32 $0x1BFF;
	s22 =	sshll.u32 s6, $0x1;
	s3 =	sadd.s32 s4, s20  }
0x14: {  	s7 =	simm.s32 $0x0;
	s21 =	sshll.u32 s5, $0x1;
	s5 =	sadd.s32 s22, s3  }
0x15: {  	[timem:s7], [sflag:s23] =	dma.local [hbm:s5], s21  }
0x16: {  	_ =	swait.ge [sflag:s23], s21  }
0x17: {  	s4 =	ssub.s32 $0x0, s21;
	[sflag:s23] =	ssyncset.done $0x0  }
0x18: {  	[sflag:s23] =	ssyncadd.s32 s4;
	_ =	sdelay $0x1  }
0x19: {  	s24 =	simm.s32 $0x1B8B  }
0x1a: {  	_ =	swait.ge [sflag:s24], $0x1  }
0x1b: {  	[sflag:s24] =	ssyncset.done $0x0  }
0x1c: {  	s26 =	simm.s32 $0x1B8E;
	s25 =	sld [smem:$0x3FFE];
	[sflag:s24] =	ssyncadd.s32 $0xFFFFFFFF  }
0x1d: {  	s27 =	simm.s32 $execute0_lowered;
	[smem:$0x3FD2] =	sst s26  }
0x1e: {  	s5 =	sshll.u32 s27, $0x1;
	_ =	strace $0x8000004C;
	[dreg:$0x1] =	wrdreg $0xFFFFFFFF  }
0x1f: {  	s28 =	simm.s32 $_size_execute0_lowered;
	s3 =	sadd.s32 s3, s5;
	[dreg:$0x0] =	wrdreg $0x0  }
0x20: {  	s5 =	sshll.u32 s28, $0x1;
	[dreg:$0x2] =	wrdreg s3  }
0x21: {  	[dreg:$0x3] =	wrdreg s5  }
0x22: {  	[dreg:$0x4] =	wrdreg $0xC0  }
0x23: {  	_ =	task [dreg:s7], $0x5FFFF  }
0x24: {  	[dreg:$0x1] =	wrdreg $0xFFFFFFFF  }
0x25: {  	[dreg:$0x0] =	wrdreg $0x60  }
0x26: {  	[dreg:$0x2] =	wrdreg s25  }
0x27: {  	[dreg:$0x3] =	wrdreg s2  }
0x28: {  	[dreg:$0x4] =	wrdreg $0x9  }
0x29: {  	_ =	task.clear_ibuf [dreg:s7], $0x5FFFF;
	_ =	strace $0x9000004C  }
0x2a: {  	s29 =	simm.s32 $0x9;
	_ =	strace $0x8000004E  }
0x2b: {  	_ =	swait.ge [sflag:s29], $0x1  }
0x2c: {  	[sflag:s29] =	ssyncadd.s32 $0xFFFFFFFF  }
0x2d: {  	_ =	strace $0x9000004E  }
0x2e: {  	_ =	sfence  }
0x2f: {  	s30 =	sld [smem:$0x0];
	_ =	sdelay $0x2  }
0x30: {  	s31 =	sshll.u32 s1, $0xD;
	s1 =	sshrl.u32 s1, $0x2  }
0x31: {  	s3 =	sand.u32 $0x4000, s31;
	s1 =	sadd.s32 s1, s30  }
0x32: {  	s0 =	sor.u32 s3, s0;
	s1 =	sshll.u32 s1, $0x11  }
0x33: {  	s0 =	sor.u32 s1, s0  }
0x34: {  	s0 =	sadd.s32 $0x8F2B, s0  }
0x35: {  	[sflag:s0] =	ssyncadd.remote.s32 $0x1  }
0x36: {  	_ =	sfence.sel $0xFFFF  }
0x37: {  	[dreg:$0x0] =	wrdreg $0xFFFFFFFF;
	(pc) =	sbr.abs _section_cstart, $3  }
0x38: {  	[dreg:$0x1] =	wrdreg $0xFFFFFFFF  }
0x39: {  	_ =	task.clear_ibuf [dreg:s7], $0x2FFFF;
	_ =	strace $0x9FFFFFFF  }
0x3a: {  	(tm) =	ssettm $0x7FFFFFFF  }
0x3b: {  	_ =	shalt  }
tec
execute0_lowered:
.L_overlay_start_1:
0x0: {  	(tag) =	ssettag $0x1  }
0x1: {  	s0 =	srdreg.scid  }
0x2: {  	s1 =	sshll.u32 s0, $0x4  }
0x3: {  	s0 =	stileid.u32;
	s1 =	sand.u32 $0x10, s1  }
0x4: {  	s1 =	sor.u32 s0, s1  }
0x5: {  	s6 =	rddreg [dreg:$0x0];
	s4 =	simm.s32 $0x1;
	s2 =	sshll.u32 s1, $0x7  }
0x6: {  	s7 =	simm.s32 $0x2;
	s12 =	simm.s32 $0x0;
	s1 =	ssub.s32 $0x1000, s2  }
0x7: {  	s8 =	simm.s32 $0x8000;
	s13 =	simm.s32 $0x0;
	s3 =	sand.u32 $0xF80, s1  }
0x8: {  	s9 =	simm.s32 $0x0;
	s5 =	sshrl.u32 s1, $0xC;
	p0 =	sne.s32 s3, $0x0  }
.Ltmp0:
0x9: {  	s1 =	rddreg [dreg:$0x2];
	s4 =	simm.s32 @!p0 $0x0;
	(pc) =	sbr.rel .LBB1_1-.Ltmp0, $4  }
0xa: {  	s11 =	simm.s32 $0x0;
	s3 =	rddreg [dreg:$0x1];
	s5 =	sadd.s32 s4, s5  }
0xb: {  	_ =	strace $0x8000004D;
	s4 =	simm.s32 $0x1;
	s5 =	smul.u32 $0xC8, s5  }
0xc: {  	s6 =	sadd.s32 $0xE00, s6;
	s10 =	smov.u32 s2;
	[sflag:s4] =	ssyncpa.u1 $0x0  }
0xd: {  	p0 =	por $0x0, $0x0;
	[sflag:s7] =	ssyncpa.u1 $0x0;
	s7 =	sor.u32 $0x1, s5  }
.LBB1_4:
0xe: {  	s16 =	sshll.u32 s13, $0x3;
	s17 =	sand.u32 $0x78, s13  }
0xf: {  	s30 =	sand.u32 $0x7E00, s13;
	s12 =	sshll.u32 s12, $0xF;
	s16 =	sand.u32 $0xC00, s16  }
0x10: {  	[tilespmem:s15+$0x810 ss:$0x81] =	vst.msk $0xffff, v2;
	s31 =	sand.u32 $0x7, s13;
	s16 =	sor.u32 s17, s16;
	s17 =	sadd.s32 s3, s30  }
0x11: {  	[tilespmem:s15+$0x1020 ss:$0x81] =	vst.msk $0xffff, v0;
	s13 =	sshll.u32 s31, $0x12;
	s12 =	sadd.s32 s12, s17;
	s16 =	sshrl.u32 s16, $0x3  }
0x12: {  	[tilespmem:s15+$0x0 ss:$0x81] =	vst.msk $0xffff, v1;
	s13 =	sor.u32 $0x400, s13;
	s12 =	sadd.s32 s16, s12  }
0x13: {  	[hbm4b:s12+s13] =	stream.strided.scatter [tilespmem:s14], [sflag:$0x2], $0x2000, s8, s13, $0x20;
	[tilespmem:$0x8080] =	vst v63  }
.LBB1_5:
0x14: {  	s14 =	sadd.s32 $0x1, s9  }
0x15: {  	s12 =	sadd.s32 $0x1000, s10;
	s16 =	smov.u32 s10;
	p2 =	sgt.s32 s14, $0xC7  }
0x16: {  	s16 =	smov.u32 @p2 s12  }
0x17: {  	s14 =	simm.s32 @p2 $0x0;
	p2 =	sgt.s32 s16, $0xFFF  }
0x18: {  	s16 =	smov.u32 @p2 s2;
	p2 =	sne.s32 s11, s7  }
.Ltmp1:
0x19: {  	p1 =	slt.u32 s11, $0x2;
	(pc) =	sbr.rel @!p2 .LBB1_6-.Ltmp1, $4  }
0x1a: {  	s15 =	simm.s32 @!p1 $0x2  }
0x1b: {  	s13 =	smov.u32 s10;
	p0 =	por !p0, !p0;
	_ =	swait.ge @!p1 [sflag:s15], $0x2000  }
0x1c: {  	s12 =	smov.u32 s9;
	[sflag:s15] =	ssyncset.done @!p1 $0x0;
	s9 =	smov.u32 s14  }
0x1d: {  	s11 =	sadd.s32 $0x1, s11;
	[sflag:s15] =	ssyncadd.s32 @!p1 $0xFFFFE000;
	s10 =	smov.u32 s16  }
.LBB1_1:
0x1e: {  	p1 =	sge.u32 s11, s5  }
0x1f: {  	s14 =	sand.u32 @!p1 $0x1FFFFFF, s9  }
0x20: {  	s15 =	smulhi.u32 @!p1 $0x147AE15, s14;
	_ =	sdelay $0x1  }
0x21: {  	s15 =	smul.u32 @!p1 $0xC8, s15  }
0x22: {  	s16 =	sxor.u32 @!p1 $0xFFFFFFFF, s11;
	s17 =	smul.u32 @!p1 $0xC80, s10  }
0x23: {  	s31 =	sadd.s32 $0xFFFFFFFF, s11;
	s16 =	sshll.u32 @!p1 s16, $0xD;
	s14 =	ssub.s32 @!p1 s14, s15  }
0x24: {  	s15 =	sand.u32 @!p1 $0x2000, s16;
	s16 =	sadd.s32 @!p1 s6, s17;
	s14 =	sshll.u32 @!p1 s14, $0x4  }
0x25: {  	s17 =	simm.s32 @!p1 $0x6400;
	s14 =	sadd.s32 @!p1 s14, s16;
	s16 =	simm.s32 @!p1 $0x40  }
0x26: {  	[tilespmem:s15], [sflag:$0x1] =	stream.strided.gather @!p1 [hbm4b:s14+s16], $0x2000, s17, s16, $0x38;
	[tilespmem:$0x8080] =	vst v63  }
0x27: {  	p1 =	sge.u32 s31, s5  }
.Ltmp2:
0x28: {  	_ = 	snop;
	(pc) =	sbr.rel @p1 .LBB1_5-.Ltmp2, $1  }
0x29: {  	_ =	sdelay $0x3  }
0x2a: {  	s14 =	simm.s32 $0x1  }
0x2b: {  	_ =	swait.ge [sflag:s4], $0x2000;
	s14 =	simm.s32 @!p0 $0x0  }
0x2c: {  	[sflag:s4] =	ssyncset.done $0x0;
	s15 =	sshll.u32 s14, $0xD  }
0x2d: {  	[sflag:s4] =	ssyncadd.s32 $0xFFFFE000;
	s18 =	sor.u32 $0x20, s15  }
0x2e: {  	s14 =	smul.u32 $0x8100, s14;
	v3 =	vld [tilespmem:s18+$0x10]  }
0x2f: {  	s30 =	sand.u32 $0x1, s11;
	v2 =	vld [tilespmem:s18+$0xFFFFFFF0]  }
0x30: {  	s15 =	smul.u32 $0x8100, s30;
	s14 =	sshrl.u32 s14, $0x2;
	v0 =	vld [tilespmem:s18+$0x0]  }
0x31: {  	v1 =	vld [tilespmem:s18+$0xFFFFFFE0];
	s16 =	sor.u32 $0x4000, s14  }
0x32: {  	s31 =	sshrl.u32 s15, $0x2;
	s15 =	sadd.s32 $0x0, s16  }
0x33: {  	s17 =	simm.s32 $0x4;
	s18 =	sadd.s32 $0x40, s18;
	s14 =	sor.u32 $0x4000, s31;
	[tilespmem:s15+$0x1830 ss:$0x81] =	vst.msk $0xffff, v3  }
.LBB1_3:
0x34: {  	v3 =	vld [tilespmem:s18+$0x10];
	p1 =	sne.s32 s17, $0x1FC;
	[tilespmem:s15+$0x810 ss:$0x81] =	vst.msk $0xffff, v2;
	s19 =	smov.u32 s17;
	s17 =	sadd.s32 $0x4, s17  }
.Ltmp3:
0x35: {  	v2 =	vld [tilespmem:s18+$0xFFFFFFF0];
	[tilespmem:s15+$0x1020 ss:$0x81] =	vst.msk $0xffff, v0;
	(pc) =	sbr.rel @p1 .LBB1_3-.Ltmp3, $4  }
0x36: {  	v0 =	vld [tilespmem:s18+$0x0];
	[tilespmem:s15+$0x0 ss:$0x81] =	vst.msk $0xffff, v1  }
0x37: {  	s15 =	sshra.s32 s19, $0x2;
	v1 =	vld [tilespmem:s18+$0xFFFFFFE0]  }
0x38: {  	s15 =	sadd.s32 s15, s16  }
0x39: {  	s18 =	sadd.s32 $0x40, s18;
	[tilespmem:s15+$0x1830 ss:$0x81] =	vst.msk $0xffff, v3  }
.Ltmp4:
0x3a: {  	_ = 	snop;
	(pc) =	sbr.rel .LBB1_4-.Ltmp4, $1  }
0x3b: {  	_ =	sdelay $0x3  }
.LBB1_6:
0x3c: {  	_ =	sfence.sel $0x180000  }
0x3d: {  	s2 =	simm.s32 $0x1;
	[bflag:$0x0] =	sbarrier.arrive $0xFFFF  }
0x3e: {  	s31 =	simm.s32 $0x2;
	[sflag:s2] =	ssyncpa.u1 $0x1  }
0x3f: {  	[sflag:s31] =	ssyncpa.u1 $0x1  }
0x40: {  	p0 =	sne.s32 s0, $0x0;
	_ =	strace $0x9000004D  }
0x41: {  	s0 =	sadd.s32 @!p0 $0x100000, s1;
	[bflag:$0x2] =	sbarrier.arrive $0xFFFF  }
0x42: {  	[sflag:s0] =	ssyncadd.tile.s32 @!p0 $0x1;
	_ =	shalt  }
.Lfunc_end1:
_tile_overlayer_lowered:
.L_overlay_start_2:
0x43: {  	(tag) =	ssettag $0x2  }
0x44: {  	s0 =	rddreg [dreg:$0x0];
	s2 =	stileid.u32  }
0x45: {  	s1 =	rddreg [dreg:$0x1];
	p0 =	sne.s32 s2, $0x0  }
0x46: {  	s3 =	rddreg [dreg:$0x2];
	[bflag:$0x3] =	sbarrier.arrive $0xFFFF;
	s2 =	simm.s32 @!p0 $0x1C01  }
0x47: {  	[timem:s3], [sflag:s2] =	dma.local @!p0 [hbm:s0], s1  }
0x48: {  	s0 =	simm.s32 @!p0 $0x1  }
0x49: {  	_ =	swait.ge @!p0 [sflag:s0], s1  }
0x4a: {  	s1 =	ssub.s32 @!p0 $0x0, s1;
	[sflag:s0] =	ssyncset.done @!p0 $0x0  }
0x4b: {  	[sflag:s0] =	ssyncadd.s32 @!p0 s1  }
0x4c: {  	[bflag:$0x3] =	sbarrier.arrive $0xFFFF  }
0x4d: {  	_ =	shalt  }

</sc_bundles>
